<compile_context>
chip_gen: v7x
topology: tpu7x:2x2x1
jax: 0.10.2.dev20260603
libtpu: 0.0.44.dev20260713+nightly
codegen_flags: <defaults>
</compile_context>

<pallas_src>
import functools
import math

import jax
import jax.numpy as jnp
from jax.experimental import pallas as pl
from jax.experimental.pallas import tpu as pltpu

NUM_EXPERTS = 4
NUM_GATES = 4
TOP = 2
EMB = 192
HID = 2 * EMB
B, H, W = 4, 56, 56
BN_EPS = 1e-5
P0 = H * W
P = 3200
T = 640
NT = P // T
_BN_SCALE = 1.0 / math.sqrt(1.0 + BN_EPS)


def _routing_body(x_ref, g_ref, comb_ref, loss_ref):
    x0 = jnp.sum(x_ref[...], axis=2) * (1.0 / P0)
    iota = jax.lax.broadcasted_iota(jnp.int32, (B, NUM_EXPERTS), 1)
    loss = jnp.float32(0.0)
    for g in range(NUM_GATES):
        logits = jnp.dot(x0, g_ref[g], preferred_element_type=jnp.float32)
        m = jnp.max(logits, axis=1, keepdims=True)
        ex = jnp.exp(logits - m)
        p = ex / jnp.sum(ex, axis=1, keepdims=True)
        usage = jnp.sum(p, axis=0)
        mu = jnp.sum(usage) * (1.0 / NUM_EXPERTS)
        var = jnp.sum((usage - mu) ** 2) * (1.0 / (NUM_EXPERTS - 1))
        loss = loss + var / (mu * mu + 1e-10)
        m1 = jnp.max(p, axis=1, keepdims=True)
        i1 = jnp.min(jnp.where(p == m1, iota, NUM_EXPERTS), axis=1,
                     keepdims=True)
        oh1 = iota == i1
        pm = jnp.where(oh1, -jnp.inf, p)
        m2 = jnp.max(pm, axis=1, keepdims=True)
        i2 = jnp.min(jnp.where(pm == m2, iota, NUM_EXPERTS), axis=1,
                     keepdims=True)
        oh2 = iota == i2
        e2 = jnp.exp(m2 - m1)
        w1 = 1.0 / (1.0 + e2)
        w2 = e2 / (1.0 + e2)
        comb_ref[g] = jnp.where(oh1, w1, 0.0) + jnp.where(oh2, w2, 0.0)
    loss_ref[0, 0] = loss


def _main_body(comb_ref, x_ref, w1_ref, b1_ref, w2_ref, b2_ref, bng_ref,
               bnb_ref, w3_ref, b3_ref, out_ref):
    b = pl.program_id(0)
    x = x_ref[0]
    acc = [None] * NUM_GATES
    for e in range(NUM_EXPERTS):
        h1 = jnp.dot(w1_ref[e], x, preferred_element_type=jnp.float32)
        h1 = h1 + b1_ref[:, e:e + 1]
        h2 = jnp.dot(w2_ref[e], h1, preferred_element_type=jnp.float32)
        h2 = h2 * (bng_ref[:, e:e + 1] * _BN_SCALE) + (
            b2_ref[:, e:e + 1] * (bng_ref[:, e:e + 1] * _BN_SCALE)
            + bnb_ref[:, e:e + 1])
        h2 = jnp.maximum(h2, 0.0)
        y = jnp.dot(w3_ref[e], h2, preferred_element_type=jnp.float32)
        y = y + b3_ref[:, e:e + 1]
        for g in range(NUM_GATES):
            term = comb_ref[g, b, e] * y
            acc[g] = term if acc[g] is None else acc[g] + term
    for g in range(NUM_GATES):
        out_ref[g, 0] = acc[g]


@jax.jit
def kernel(x, gate1, gate2, gate3, gate4, W1, b1, W2, b2, bn_g, bn_b, W3, b3):
    xp = jnp.pad(x.reshape(B, EMB, P0), ((0, 0), (0, 0), (0, P - P0)))
    gates = jnp.stack([gate1, gate2, gate3, gate4])

    comb, loss = pl.pallas_call(
        _routing_body,
        out_shape=(
            jax.ShapeDtypeStruct((NUM_GATES, B, NUM_EXPERTS), jnp.float32),
            jax.ShapeDtypeStruct((1, 1), jnp.float32),
        ),
        in_specs=[
            pl.BlockSpec((B, EMB, P), lambda: (0, 0, 0)),
            pl.BlockSpec((NUM_GATES, EMB, NUM_EXPERTS), lambda: (0, 0, 0)),
        ],
        out_specs=(
            pl.BlockSpec((NUM_GATES, B, NUM_EXPERTS), lambda: (0, 0, 0)),
            pl.BlockSpec(memory_space=pltpu.SMEM),
        ),
    )(xp, gates)

    ys = pl.pallas_call(
        _main_body,
        grid=(B, NT),
        out_shape=jax.ShapeDtypeStruct((NUM_GATES, B, EMB, P), jnp.float32),
        in_specs=[
            pl.BlockSpec(memory_space=pltpu.SMEM),
            pl.BlockSpec((1, EMB, T), lambda b, t: (b, 0, t)),
            pl.BlockSpec((NUM_EXPERTS, HID, EMB), lambda b, t: (0, 0, 0)),
            pl.BlockSpec((HID, NUM_EXPERTS), lambda b, t: (0, 0)),
            pl.BlockSpec((NUM_EXPERTS, HID, HID), lambda b, t: (0, 0, 0)),
            pl.BlockSpec((HID, NUM_EXPERTS), lambda b, t: (0, 0)),
            pl.BlockSpec((HID, NUM_EXPERTS), lambda b, t: (0, 0)),
            pl.BlockSpec((HID, NUM_EXPERTS), lambda b, t: (0, 0)),
            pl.BlockSpec((NUM_EXPERTS, EMB, HID), lambda b, t: (0, 0, 0)),
            pl.BlockSpec((EMB, NUM_EXPERTS), lambda b, t: (0, 0)),
        ],
        out_specs=pl.BlockSpec((NUM_GATES, 1, EMB, T),
                               lambda b, t: (0, b, 0, t)),
    )(comb, xp, W1, b1.T, W2, b2.T, bn_g.T, bn_b.T, W3, b3.T)

    y = ys[..., :P0].reshape(NUM_GATES, B, EMB, H, W)
    return (y[0], y[1], y[2], y[3], loss.reshape(()))

# --- scband reference (transcript-rebuilt; emitter-appended) ---
"""Pipeline reference for scband-mamba-mo-e-77120432767225 (READ-ONLY COPY).

The authoritative reference and input builder live on the scoring server;
editing this copy changes nothing except your own understanding.
"""

import jax, jax.numpy as jnp
import numpy as np

NUM_EXPERTS = 4
TOP = 2
EMB = 192
HID = 2 * EMB
B, H, W = 4, 56, 56
BN_EPS = 1e-5


def setup_inputs(seed: int = 0) -> dict:
    key = jax.random.key(seed)
    ks = jax.random.split(key, 14)
    x = jax.random.normal(ks[0], (B, EMB, H, W), dtype=jnp.float32)
    lim_g = float(np.sqrt(6.0 / (EMB + NUM_EXPERTS)))
    gate1 = jax.random.uniform(ks[1], (EMB, NUM_EXPERTS), minval=-lim_g, maxval=lim_g, dtype=jnp.float32)
    gate2 = jax.random.uniform(ks[2], (EMB, NUM_EXPERTS), minval=-lim_g, maxval=lim_g, dtype=jnp.float32)
    gate3 = jax.random.uniform(ks[3], (EMB, NUM_EXPERTS), minval=-lim_g, maxval=lim_g, dtype=jnp.float32)
    gate4 = jax.random.uniform(ks[4], (EMB, NUM_EXPERTS), minval=-lim_g, maxval=lim_g, dtype=jnp.float32)
    W1 = jax.random.normal(ks[5], (NUM_EXPERTS, HID, EMB), dtype=jnp.float32) * (1.0 / np.sqrt(EMB))
    b1 = jax.random.normal(ks[6], (NUM_EXPERTS, HID), dtype=jnp.float32) * 0.01
    W2 = jax.random.normal(ks[7], (NUM_EXPERTS, HID, HID), dtype=jnp.float32) * (1.0 / np.sqrt(HID))
    b2 = jax.random.normal(ks[8], (NUM_EXPERTS, HID), dtype=jnp.float32) * 0.01
    bn_g = jnp.ones((NUM_EXPERTS, HID), dtype=jnp.float32)
    bn_b = jnp.zeros((NUM_EXPERTS, HID), dtype=jnp.float32)
    W3 = jax.random.normal(ks[9], (NUM_EXPERTS, EMB, HID), dtype=jnp.float32) * (1.0 / np.sqrt(HID))
    b3 = jax.random.normal(ks[10], (NUM_EXPERTS, EMB), dtype=jnp.float32) * 0.01
    return {"x": x, "gate1": gate1, "gate2": gate2, "gate3": gate3, "gate4": gate4,
            "W1": W1, "b1": b1, "W2": W2, "b2": b2, "bn_g": bn_g, "bn_b": bn_b,
            "W3": W3, "b3": b3}


def _expert(x, W1e, b1e, W2e, b2e, ge, be, W3e, b3e):
    # LightweightExpert: 1x1 conv -> 1x1 conv -> BN(eval, running stats 0/1) -> ReLU -> 1x1 conv
    h = jnp.einsum('oc,bchw->bohw', W1e, x) + b1e[None, :, None, None]
    h = jnp.einsum('oc,bchw->bohw', W2e, h) + b2e[None, :, None, None]
    h = h / jnp.sqrt(1.0 + BN_EPS) * ge[None, :, None, None] + be[None, :, None, None]
    h = jax.nn.relu(h)
    return jnp.einsum('oc,bchw->bohw', W3e, h) + b3e[None, :, None, None]


def _cv_squared(v):
    # torch .var() is unbiased (ddof=1)
    return jnp.var(v, ddof=1) / (jnp.mean(v) ** 2 + 1e-10)


def _process_gate(x, gate, W1, b1, W2, b2, bn_g, bn_b, W3, b3):
    Bx, C, Hx, Wx = x.shape
    x0 = jnp.mean(x, axis=(2, 3))  # adaptive avg pool (1,1)
    gate_out = jax.nn.softmax(x0 @ gate, axis=1)
    expert_usage = jnp.sum(gate_out, axis=0)
    top_w, top_idx = jax.lax.top_k(gate_out, TOP)
    top_w = jax.nn.softmax(top_w, axis=1)
    x_exp = jnp.broadcast_to(x[:, None], (Bx, TOP, C, Hx, Wx)).reshape(Bx * TOP, C, Hx, Wx)
    flat_idx = top_idx.reshape(-1)
    y = jnp.zeros_like(x_exp)
    for e in range(NUM_EXPERTS):
        mask = (flat_idx == e).astype(x.dtype)[:, None, None, None]
        ye = _expert(x_exp, W1[e], b1[e], W2[e], b2[e], bn_g[e], bn_b[e], W3[e], b3[e])
        y = y + mask * ye
    y = y * top_w.reshape(-1, 1, 1, 1)
    y = y.reshape(Bx, TOP, C, Hx, Wx).sum(axis=1)
    return y, _cv_squared(expert_usage)


def reference(x, gate1, gate2, gate3, gate4, W1, b1, W2, b2, bn_g, bn_b, W3, b3):
    y1, l1 = _process_gate(x, gate1, W1, b1, W2, b2, bn_g, bn_b, W3, b3)
    y2, l2 = _process_gate(x, gate2, W1, b1, W2, b2, bn_g, bn_b, W3, b3)
    y3, l3 = _process_gate(x, gate3, W1, b1, W2, b2, bn_g, bn_b, W3, b3)
    y4, l4 = _process_gate(x, gate4, W1, b1, W2, b2, bn_g, bn_b, W3, b3)
    return (y1, y2, y3, y4, l1 + l2 + l3 + l4)

if __name__ == "__main__":
    import jax
    _d = setup_inputs()
    print(jax.jit(kernel)(*tuple(_d.values())))

</pallas_src>

<mosaic_0001>
module attributes {stable_mosaic.version = 14 : i64} {
  func.func @_routing_body(%arg0: memref<4x192x3200xf32, #tpu.memory_space<vmem>>, %arg1: memref<4x192x4xf32, #tpu.memory_space<vmem>>, %arg2: memref<4x4x4xf32, #tpu.memory_space<vmem>>, %arg3: memref<1x1xf32, #tpu.memory_space<smem>>) attributes {dimension_semantics = [], scalar_prefetch = 0 : i64, scratch_operands = 0 : i64, tpu.core_type = #tpu.core_type<tc>} {
    %get3A = arith.constant 0 : index
    %get3A_0 = arith.constant 0 : index
    %get3A_1 = arith.constant 0 : index
    %get3A_2 = vector.load %arg0[%get3A, %get3A_0, %get3A_1] : memref<4x192x3200xf32, #tpu.memory_space<vmem>>, vector<4x192x3200xf32>
    %reduce_sum3A = arith.constant dense<0.000000e+00> : vector<4x192xf32>
    %reduce_sum3A_3 = vector.multi_reduction <add>, %get3A_2, %reduce_sum3A [2] : vector<4x192x3200xf32> to vector<4x192xf32>
    %mul3A = arith.constant 3.18877544E-4 : f32
    %mul3A_4 = vector.broadcast %mul3A : f32 to vector<4x192xf32>
    %mul3A_5 = arith.mulf %reduce_sum3A_3, %mul3A_4 : vector<4x192xf32>
    %iota3A = tpu.iota {dimensions = array<i32: 1>} : vector<4x4xi32>
    %get3A_6 = arith.constant 0 : index
    %get3A_7 = arith.constant 0 : index
    %get3A_8 = arith.constant 0 : index
    %get3A_9 = vector.load %arg1[%get3A_6, %get3A_7, %get3A_8] : memref<4x192x4xf32, #tpu.memory_space<vmem>>, vector<1x192x4xf32>
    %get3A_10 = vector.shape_cast %get3A_9 : vector<1x192x4xf32> to vector<192x4xf32>
    %dot_general3A = arith.constant dense<0.000000e+00> : vector<4x4xf32>
    %dot_general3A_11 = tpu.matmul %mul3A_5, %get3A_10, %dot_general3A {dimension_numbers = #tpu.dot_dimension_numbers<[1], [0], [0], [1], [0, 0, 1, 1], [], []>, transpose_lhs_hint = false} : vector<4x192xf32>, vector<192x4xf32>, vector<4x4xf32> -> vector<4x4xf32>
    %reduce_max3A = arith.constant dense<0xFF800000> : vector<4xf32>
    %reduce_max3A_12 = vector.multi_reduction <maximumf>, %dot_general3A_11, %reduce_max3A [1] : vector<4x4xf32> to vector<4xf32>
    %broadcast_in_dim3A = vector.shape_cast %reduce_max3A_12 : vector<4xf32> to vector<4x1xf32>
    %sub3A = vector.broadcast %broadcast_in_dim3A : vector<4x1xf32> to vector<4x4xf32>
    %sub3A_13 = arith.subf %dot_general3A_11, %sub3A : vector<4x4xf32>
    %exp3A = math.exp %sub3A_13 : vector<4x4xf32>
    %reduce_sum3A_14 = arith.constant dense<0.000000e+00> : vector<4xf32>
    %reduce_sum3A_15 = vector.multi_reduction <add>, %exp3A, %reduce_sum3A_14 [1] : vector<4x4xf32> to vector<4xf32>
    %broadcast_in_dim3A_16 = vector.shape_cast %reduce_sum3A_15 : vector<4xf32> to vector<4x1xf32>
    %div3A = vector.broadcast %broadcast_in_dim3A_16 : vector<4x1xf32> to vector<4x4xf32>
    %div3A_17 = arith.divf %exp3A, %div3A : vector<4x4xf32>
    %reduce_sum3A_18 = arith.constant dense<0.000000e+00> : vector<4xf32>
    %reduce_sum3A_19 = vector.multi_reduction <add>, %div3A_17, %reduce_sum3A_18 [0] : vector<4x4xf32> to vector<4xf32>
    %reduce_sum3A_20 = vector.shape_cast %reduce_sum3A_19 : vector<4xf32> to vector<1x4xf32>
    %reduce_sum3A_21 = arith.constant dense<0.000000e+00> : vector<1xf32>
    %reduce_sum3A_22 = vector.multi_reduction <add>, %reduce_sum3A_20, %reduce_sum3A_21 [1] : vector<1x4xf32> to vector<1xf32>
    %reduce_sum3A_23 = vector.shape_cast %reduce_sum3A_22 : vector<1xf32> to vector<1x1xf32>
    %reduce_sum3A_24 = vector.extract %reduce_sum3A_23[0, 0] : f32 from vector<1x1xf32>
    %mul3A_25 = arith.constant 2.500000e-01 : f32
    %mul3A_26 = arith.mulf %reduce_sum3A_24, %mul3A_25 : f32
    %sub3A_27 = vector.broadcast %mul3A_26 : f32 to vector<4xf32>
    %sub3A_28 = arith.subf %reduce_sum3A_19, %sub3A_27 : vector<4xf32>
    %integer_pow3A = arith.mulf %sub3A_28, %sub3A_28 : vector<4xf32>
    %reduce_sum3A_29 = vector.shape_cast %integer_pow3A : vector<4xf32> to vector<1x4xf32>
    %reduce_sum3A_30 = arith.constant dense<0.000000e+00> : vector<1xf32>
    %reduce_sum3A_31 = vector.multi_reduction <add>, %reduce_sum3A_29, %reduce_sum3A_30 [1] : vector<1x4xf32> to vector<1xf32>
    %reduce_sum3A_32 = vector.shape_cast %reduce_sum3A_31 : vector<1xf32> to vector<1x1xf32>
    %reduce_sum3A_33 = vector.extract %reduce_sum3A_32[0, 0] : f32 from vector<1x1xf32>
    %mul3A_34 = arith.constant 0.333333343 : f32
    %mul3A_35 = arith.mulf %reduce_sum3A_33, %mul3A_34 : f32
    %mul3A_36 = arith.mulf %mul3A_26, %mul3A_26 : f32
    %add3A = arith.constant 1.000000e-10 : f32
    %add3A_37 = arith.addf %mul3A_36, %add3A : f32
    %div3A_38 = arith.divf %mul3A_35, %add3A_37 : f32
    %add3A_39 = arith.constant 0.000000e+00 : f32
    %add3A_40 = arith.addf %add3A_39, %div3A_38 : f32
    %reduce_max3A_41 = arith.constant dense<0xFF800000> : vector<4xf32>
    %reduce_max3A_42 = vector.multi_reduction <maximumf>, %div3A_17, %reduce_max3A_41 [1] : vector<4x4xf32> to vector<4xf32>
    %broadcast_in_dim3A_43 = vector.shape_cast %reduce_max3A_42 : vector<4xf32> to vector<4x1xf32>
    %eq3A = vector.broadcast %broadcast_in_dim3A_43 : vector<4x1xf32> to vector<4x4xf32>
    %eq3A_44 = arith.cmpf oeq, %div3A_17, %eq3A : vector<4x4xf32>
    %jit3A = arith.constant 4 : i32
    %broadcast_in_dim3A_45 = vector.broadcast %jit3A : i32 to vector<4x4xi32>
    %select_n3A = arith.select %eq3A_44, %iota3A, %broadcast_in_dim3A_45 : vector<4x4xi1>, vector<4x4xi32>
    %reduce_min3A = arith.constant dense<2147483647> : vector<4xi32>
    %reduce_min3A_46 = vector.multi_reduction <minsi>, %select_n3A, %reduce_min3A [1] : vector<4x4xi32> to vector<4xi32>
    %broadcast_in_dim3A_47 = vector.shape_cast %reduce_min3A_46 : vector<4xi32> to vector<4x1xi32>
    %eq3A_48 = vector.broadcast %broadcast_in_dim3A_47 : vector<4x1xi32> to vector<4x4xi32>
    %eq3A_49 = arith.cmpi eq, %iota3A, %eq3A_48 : vector<4x4xi32>
    %jit3A_50 = arith.constant 0xFF800000 : f32
    %broadcast_in_dim3A_51 = vector.broadcast %jit3A_50 : f32 to vector<4x4xf32>
    %select_n3A_52 = arith.select %eq3A_49, %broadcast_in_dim3A_51, %div3A_17 : vector<4x4xi1>, vector<4x4xf32>
    %reduce_max3A_53 = arith.constant dense<0xFF800000> : vector<4xf32>
    %reduce_max3A_54 = vector.multi_reduction <maximumf>, %select_n3A_52, %reduce_max3A_53 [1] : vector<4x4xf32> to vector<4xf32>
    %broadcast_in_dim3A_55 = vector.shape_cast %reduce_max3A_54 : vector<4xf32> to vector<4x1xf32>
    %eq3A_56 = vector.broadcast %broadcast_in_dim3A_55 : vector<4x1xf32> to vector<4x4xf32>
    %eq3A_57 = arith.cmpf oeq, %select_n3A_52, %eq3A_56 : vector<4x4xf32>
    %jit3A_58 = arith.constant 4 : i32
    %broadcast_in_dim3A_59 = vector.broadcast %jit3A_58 : i32 to vector<4x4xi32>
    %select_n3A_60 = arith.select %eq3A_57, %iota3A, %broadcast_in_dim3A_59 : vector<4x4xi1>, vector<4x4xi32>
    %reduce_min3A_61 = arith.constant dense<2147483647> : vector<4xi32>
    %reduce_min3A_62 = vector.multi_reduction <minsi>, %select_n3A_60, %reduce_min3A_61 [1] : vector<4x4xi32> to vector<4xi32>
    %broadcast_in_dim3A_63 = vector.shape_cast %reduce_min3A_62 : vector<4xi32> to vector<4x1xi32>
    %eq3A_64 = vector.broadcast %broadcast_in_dim3A_63 : vector<4x1xi32> to vector<4x4xi32>
    %eq3A_65 = arith.cmpi eq, %iota3A, %eq3A_64 : vector<4x4xi32>
    %sub3A_66 = arith.subf %broadcast_in_dim3A_55, %broadcast_in_dim3A_43 : vector<4x1xf32>
    %exp3A_67 = math.exp %sub3A_66 : vector<4x1xf32>
    %add3A_68 = arith.constant 1.000000e+00 : f32
    %add3A_69 = vector.broadcast %add3A_68 : f32 to vector<4x1xf32>
    %add3A_70 = arith.addf %add3A_69, %exp3A_67 : vector<4x1xf32>
    %div3A_71 = arith.constant 1.000000e+00 : f32
    %div3A_72 = vector.broadcast %div3A_71 : f32 to vector<4x1xf32>
    %div3A_73 = arith.divf %div3A_72, %add3A_70 : vector<4x1xf32>
    %add3A_74 = arith.constant 1.000000e+00 : f32
    %add3A_75 = vector.broadcast %add3A_74 : f32 to vector<4x1xf32>
    %add3A_76 = arith.addf %add3A_75, %exp3A_67 : vector<4x1xf32>
    %div3A_77 = arith.divf %exp3A_67, %add3A_76 : vector<4x1xf32>
    %jit3A_78 = arith.constant 0.000000e+00 : f32
    %broadcast_in_dim3A_79 = vector.shape_cast %div3A_73 : vector<4x1xf32> to vector<4x1xf32>
    %broadcast_in_dim3A_80 = vector.broadcast %broadcast_in_dim3A_79 : vector<4x1xf32> to vector<4x4xf32>
    %broadcast_in_dim3A_81 = vector.broadcast %jit3A_78 : f32 to vector<4x4xf32>
    %select_n3A_82 = arith.select %eq3A_49, %broadcast_in_dim3A_80, %broadcast_in_dim3A_81 : vector<4x4xi1>, vector<4x4xf32>
    %jit3A_83 = arith.constant 0.000000e+00 : f32
    %broadcast_in_dim3A_84 = vector.shape_cast %div3A_77 : vector<4x1xf32> to vector<4x1xf32>
    %broadcast_in_dim3A_85 = vector.broadcast %broadcast_in_dim3A_84 : vector<4x1xf32> to vector<4x4xf32>
    %broadcast_in_dim3A_86 = vector.broadcast %jit3A_83 : f32 to vector<4x4xf32>
    %select_n3A_87 = arith.select %eq3A_65, %broadcast_in_dim3A_85, %broadcast_in_dim3A_86 : vector<4x4xi1>, vector<4x4xf32>
    %add3A_88 = arith.addf %select_n3A_82, %select_n3A_87 : vector<4x4xf32>
    %swap3A = arith.constant 0 : index
    %swap3A_89 = arith.constant 0 : index
    %swap3A_90 = arith.constant 0 : index
    %swap3A_91 = vector.load %arg2[%swap3A, %swap3A_89, %swap3A_90] : memref<4x4x4xf32, #tpu.memory_space<vmem>>, vector<1x4x4xf32>
    %swap3A_92 = vector.shape_cast %swap3A_91 : vector<1x4x4xf32> to vector<4x4xf32>
    %swap3A_93 = vector.shape_cast %add3A_88 : vector<4x4xf32> to vector<1x4x4xf32>
    tpu.vector_store %arg2[%swap3A, %swap3A_89, %swap3A_90], %swap3A_93 {strides = array<i32>} : memref<4x4x4xf32, #tpu.memory_space<vmem>>, vector<1x4x4xf32>,
    %get3A_94 = arith.constant 1 : index
    %get3A_95 = arith.constant 0 : index
    %get3A_96 = arith.constant 0 : index
    %get3A_97 = vector.load %arg1[%get3A_94, %get3A_95, %get3A_96] : memref<4x192x4xf32, #tpu.memory_space<vmem>>, vector<1x192x4xf32>
    %get3A_98 = vector.shape_cast %get3A_97 : vector<1x192x4xf32> to vector<192x4xf32>
    %dot_general3A_99 = arith.constant dense<0.000000e+00> : vector<4x4xf32>
    %dot_general3A_100 = tpu.matmul %mul3A_5, %get3A_98, %dot_general3A_99 {dimension_numbers = #tpu.dot_dimension_numbers<[1], [0], [0], [1], [0, 0, 1, 1], [], []>, transpose_lhs_hint = false} : vector<4x192xf32>, vector<192x4xf32>, vector<4x4xf32> -> vector<4x4xf32>
    %reduce_max3A_101 = arith.constant dense<0xFF800000> : vector<4xf32>
    %reduce_max3A_102 = vector.multi_reduction <maximumf>, %dot_general3A_100, %reduce_max3A_101 [1] : vector<4x4xf32> to vector<4xf32>
    %broadcast_in_dim3A_103 = vector.shape_cast %reduce_max3A_102 : vector<4xf32> to vector<4x1xf32>
    %sub3A_104 = vector.broadcast %broadcast_in_dim3A_103 : vector<4x1xf32> to vector<4x4xf32>
    %sub3A_105 = arith.subf %dot_general3A_100, %sub3A_104 : vector<4x4xf32>
    %exp3A_106 = math.exp %sub3A_105 : vector<4x4xf32>
    %reduce_sum3A_107 = arith.constant dense<0.000000e+00> : vector<4xf32>
    %reduce_sum3A_108 = vector.multi_reduction <add>, %exp3A_106, %reduce_sum3A_107 [1] : vector<4x4xf32> to vector<4xf32>
    %broadcast_in_dim3A_109 = vector.shape_cast %reduce_sum3A_108 : vector<4xf32> to vector<4x1xf32>
    %div3A_110 = vector.broadcast %broadcast_in_dim3A_109 : vector<4x1xf32> to vector<4x4xf32>
    %div3A_111 = arith.divf %exp3A_106, %div3A_110 : vector<4x4xf32>
    %reduce_sum3A_112 = arith.constant dense<0.000000e+00> : vector<4xf32>
    %reduce_sum3A_113 = vector.multi_reduction <add>, %div3A_111, %reduce_sum3A_112 [0] : vector<4x4xf32> to vector<4xf32>
    %reduce_sum3A_114 = vector.shape_cast %reduce_sum3A_113 : vector<4xf32> to vector<1x4xf32>
    %reduce_sum3A_115 = arith.constant dense<0.000000e+00> : vector<1xf32>
    %reduce_sum3A_116 = vector.multi_reduction <add>, %reduce_sum3A_114, %reduce_sum3A_115 [1] : vector<1x4xf32> to vector<1xf32>
    %reduce_sum3A_117 = vector.shape_cast %reduce_sum3A_116 : vector<1xf32> to vector<1x1xf32>
    %reduce_sum3A_118 = vector.extract %reduce_sum3A_117[0, 0] : f32 from vector<1x1xf32>
    %mul3A_119 = arith.constant 2.500000e-01 : f32
    %mul3A_120 = arith.mulf %reduce_sum3A_118, %mul3A_119 : f32
    %sub3A_121 = vector.broadcast %mul3A_120 : f32 to vector<4xf32>
    %sub3A_122 = arith.subf %reduce_sum3A_113, %sub3A_121 : vector<4xf32>
    %integer_pow3A_123 = arith.mulf %sub3A_122, %sub3A_122 : vector<4xf32>
    %reduce_sum3A_124 = vector.shape_cast %integer_pow3A_123 : vector<4xf32> to vector<1x4xf32>
    %reduce_sum3A_125 = arith.constant dense<0.000000e+00> : vector<1xf32>
    %reduce_sum3A_126 = vector.multi_reduction <add>, %reduce_sum3A_124, %reduce_sum3A_125 [1] : vector<1x4xf32> to vector<1xf32>
    %reduce_sum3A_127 = vector.shape_cast %reduce_sum3A_126 : vector<1xf32> to vector<1x1xf32>
    %reduce_sum3A_128 = vector.extract %reduce_sum3A_127[0, 0] : f32 from vector<1x1xf32>
    %mul3A_129 = arith.constant 0.333333343 : f32
    %mul3A_130 = arith.mulf %reduce_sum3A_128, %mul3A_129 : f32
    %mul3A_131 = arith.mulf %mul3A_120, %mul3A_120 : f32
    %add3A_132 = arith.constant 1.000000e-10 : f32
    %add3A_133 = arith.addf %mul3A_131, %add3A_132 : f32
    %div3A_134 = arith.divf %mul3A_130, %add3A_133 : f32
    %add3A_135 = arith.addf %add3A_40, %div3A_134 : f32
    %reduce_max3A_136 = arith.constant dense<0xFF800000> : vector<4xf32>
    %reduce_max3A_137 = vector.multi_reduction <maximumf>, %div3A_111, %reduce_max3A_136 [1] : vector<4x4xf32> to vector<4xf32>
    %broadcast_in_dim3A_138 = vector.shape_cast %reduce_max3A_137 : vector<4xf32> to vector<4x1xf32>
    %eq3A_139 = vector.broadcast %broadcast_in_dim3A_138 : vector<4x1xf32> to vector<4x4xf32>
    %eq3A_140 = arith.cmpf oeq, %div3A_111, %eq3A_139 : vector<4x4xf32>
    %jit3A_141 = arith.constant 4 : i32
    %broadcast_in_dim3A_142 = vector.broadcast %jit3A_141 : i32 to vector<4x4xi32>
    %select_n3A_143 = arith.select %eq3A_140, %iota3A, %broadcast_in_dim3A_142 : vector<4x4xi1>, vector<4x4xi32>
    %reduce_min3A_144 = arith.constant dense<2147483647> : vector<4xi32>
    %reduce_min3A_145 = vector.multi_reduction <minsi>, %select_n3A_143, %reduce_min3A_144 [1] : vector<4x4xi32> to vector<4xi32>
    %broadcast_in_dim3A_146 = vector.shape_cast %reduce_min3A_145 : vector<4xi32> to vector<4x1xi32>
    %eq3A_147 = vector.broadcast %broadcast_in_dim3A_146 : vector<4x1xi32> to vector<4x4xi32>
    %eq3A_148 = arith.cmpi eq, %iota3A, %eq3A_147 : vector<4x4xi32>
    %jit3A_149 = arith.constant 0xFF800000 : f32
    %broadcast_in_dim3A_150 = vector.broadcast %jit3A_149 : f32 to vector<4x4xf32>
    %select_n3A_151 = arith.select %eq3A_148, %broadcast_in_dim3A_150, %div3A_111 : vector<4x4xi1>, vector<4x4xf32>
    %reduce_max3A_152 = arith.constant dense<0xFF800000> : vector<4xf32>
    %reduce_max3A_153 = vector.multi_reduction <maximumf>, %select_n3A_151, %reduce_max3A_152 [1] : vector<4x4xf32> to vector<4xf32>
    %broadcast_in_dim3A_154 = vector.shape_cast %reduce_max3A_153 : vector<4xf32> to vector<4x1xf32>
    %eq3A_155 = vector.broadcast %broadcast_in_dim3A_154 : vector<4x1xf32> to vector<4x4xf32>
    %eq3A_156 = arith.cmpf oeq, %select_n3A_151, %eq3A_155 : vector<4x4xf32>
    %jit3A_157 = arith.constant 4 : i32
    %broadcast_in_dim3A_158 = vector.broadcast %jit3A_157 : i32 to vector<4x4xi32>
    %select_n3A_159 = arith.select %eq3A_156, %iota3A, %broadcast_in_dim3A_158 : vector<4x4xi1>, vector<4x4xi32>
    %reduce_min3A_160 = arith.constant dense<2147483647> : vector<4xi32>
    %reduce_min3A_161 = vector.multi_reduction <minsi>, %select_n3A_159, %reduce_min3A_160 [1] : vector<4x4xi32> to vector<4xi32>
    %broadcast_in_dim3A_162 = vector.shape_cast %reduce_min3A_161 : vector<4xi32> to vector<4x1xi32>
    %eq3A_163 = vector.broadcast %broadcast_in_dim3A_162 : vector<4x1xi32> to vector<4x4xi32>
    %eq3A_164 = arith.cmpi eq, %iota3A, %eq3A_163 : vector<4x4xi32>
    %sub3A_165 = arith.subf %broadcast_in_dim3A_154, %broadcast_in_dim3A_138 : vector<4x1xf32>
    %exp3A_166 = math.exp %sub3A_165 : vector<4x1xf32>
    %add3A_167 = arith.constant 1.000000e+00 : f32
    %add3A_168 = vector.broadcast %add3A_167 : f32 to vector<4x1xf32>
    %add3A_169 = arith.addf %add3A_168, %exp3A_166 : vector<4x1xf32>
    %div3A_170 = arith.constant 1.000000e+00 : f32
    %div3A_171 = vector.broadcast %div3A_170 : f32 to vector<4x1xf32>
    %div3A_172 = arith.divf %div3A_171, %add3A_169 : vector<4x1xf32>
    %add3A_173 = arith.constant 1.000000e+00 : f32
    %add3A_174 = vector.broadcast %add3A_173 : f32 to vector<4x1xf32>
    %add3A_175 = arith.addf %add3A_174, %exp3A_166 : vector<4x1xf32>
    %div3A_176 = arith.divf %exp3A_166, %add3A_175 : vector<4x1xf32>
    %jit3A_177 = arith.constant 0.000000e+00 : f32
    %broadcast_in_dim3A_178 = vector.shape_cast %div3A_172 : vector<4x1xf32> to vector<4x1xf32>
    %broadcast_in_dim3A_179 = vector.broadcast %broadcast_in_dim3A_178 : vector<4x1xf32> to vector<4x4xf32>
    %broadcast_in_dim3A_180 = vector.broadcast %jit3A_177 : f32 to vector<4x4xf32>
    %select_n3A_181 = arith.select %eq3A_148, %broadcast_in_dim3A_179, %broadcast_in_dim3A_180 : vector<4x4xi1>, vector<4x4xf32>
    %jit3A_182 = arith.constant 0.000000e+00 : f32
    %broadcast_in_dim3A_183 = vector.shape_cast %div3A_176 : vector<4x1xf32> to vector<4x1xf32>
    %broadcast_in_dim3A_184 = vector.broadcast %broadcast_in_dim3A_183 : vector<4x1xf32> to vector<4x4xf32>
    %broadcast_in_dim3A_185 = vector.broadcast %jit3A_182 : f32 to vector<4x4xf32>
    %select_n3A_186 = arith.select %eq3A_164, %broadcast_in_dim3A_184, %broadcast_in_dim3A_185 : vector<4x4xi1>, vector<4x4xf32>
    %add3A_187 = arith.addf %select_n3A_181, %select_n3A_186 : vector<4x4xf32>
    %swap3A_188 = arith.constant 1 : index
    %swap3A_189 = arith.constant 0 : index
    %swap3A_190 = arith.constant 0 : index
    %swap3A_191 = vector.load %arg2[%swap3A_188, %swap3A_189, %swap3A_190] : memref<4x4x4xf32, #tpu.memory_space<vmem>>, vector<1x4x4xf32>
    %swap3A_192 = vector.shape_cast %swap3A_191 : vector<1x4x4xf32> to vector<4x4xf32>
    %swap3A_193 = vector.shape_cast %add3A_187 : vector<4x4xf32> to vector<1x4x4xf32>
    tpu.vector_store %arg2[%swap3A_188, %swap3A_189, %swap3A_190], %swap3A_193 {strides = array<i32>} : memref<4x4x4xf32, #tpu.memory_space<vmem>>, vector<1x4x4xf32>,
    %get3A_194 = arith.constant 2 : index
    %get3A_195 = arith.constant 0 : index
    %get3A_196 = arith.constant 0 : index
    %get3A_197 = vector.load %arg1[%get3A_194, %get3A_195, %get3A_196] : memref<4x192x4xf32, #tpu.memory_space<vmem>>, vector<1x192x4xf32>
    %get3A_198 = vector.shape_cast %get3A_197 : vector<1x192x4xf32> to vector<192x4xf32>
    %dot_general3A_199 = arith.constant dense<0.000000e+00> : vector<4x4xf32>
    %dot_general3A_200 = tpu.matmul %mul3A_5, %get3A_198, %dot_general3A_199 {dimension_numbers = #tpu.dot_dimension_numbers<[1], [0], [0], [1], [0, 0, 1, 1], [], []>, transpose_lhs_hint = false} : vector<4x192xf32>, vector<192x4xf32>, vector<4x4xf32> -> vector<4x4xf32>
    %reduce_max3A_201 = arith.constant dense<0xFF800000> : vector<4xf32>
    %reduce_max3A_202 = vector.multi_reduction <maximumf>, %dot_general3A_200, %reduce_max3A_201 [1] : vector<4x4xf32> to vector<4xf32>
    %broadcast_in_dim3A_203 = vector.shape_cast %reduce_max3A_202 : vector<4xf32> to vector<4x1xf32>
    %sub3A_204 = vector.broadcast %broadcast_in_dim3A_203 : vector<4x1xf32> to vector<4x4xf32>
    %sub3A_205 = arith.subf %dot_general3A_200, %sub3A_204 : vector<4x4xf32>
    %exp3A_206 = math.exp %sub3A_205 : vector<4x4xf32>
    %reduce_sum3A_207 = arith.constant dense<0.000000e+00> : vector<4xf32>
    %reduce_sum3A_208 = vector.multi_reduction <add>, %exp3A_206, %reduce_sum3A_207 [1] : vector<4x4xf32> to vector<4xf32>
    %broadcast_in_dim3A_209 = vector.shape_cast %reduce_sum3A_208 : vector<4xf32> to vector<4x1xf32>
    %div3A_210 = vector.broadcast %broadcast_in_dim3A_209 : vector<4x1xf32> to vector<4x4xf32>
    %div3A_211 = arith.divf %exp3A_206, %div3A_210 : vector<4x4xf32>
    %reduce_sum3A_212 = arith.constant dense<0.000000e+00> : vector<4xf32>
    %reduce_sum3A_213 = vector.multi_reduction <add>, %div3A_211, %reduce_sum3A_212 [0] : vector<4x4xf32> to vector<4xf32>
    %reduce_sum3A_214 = vector.shape_cast %reduce_sum3A_213 : vector<4xf32> to vector<1x4xf32>
    %reduce_sum3A_215 = arith.constant dense<0.000000e+00> : vector<1xf32>
    %reduce_sum3A_216 = vector.multi_reduction <add>, %reduce_sum3A_214, %reduce_sum3A_215 [1] : vector<1x4xf32> to vector<1xf32>
    %reduce_sum3A_217 = vector.shape_cast %reduce_sum3A_216 : vector<1xf32> to vector<1x1xf32>
    %reduce_sum3A_218 = vector.extract %reduce_sum3A_217[0, 0] : f32 from vector<1x1xf32>
    %mul3A_219 = arith.constant 2.500000e-01 : f32
    %mul3A_220 = arith.mulf %reduce_sum3A_218, %mul3A_219 : f32
    %sub3A_221 = vector.broadcast %mul3A_220 : f32 to vector<4xf32>
    %sub3A_222 = arith.subf %reduce_sum3A_213, %sub3A_221 : vector<4xf32>
    %integer_pow3A_223 = arith.mulf %sub3A_222, %sub3A_222 : vector<4xf32>
    %reduce_sum3A_224 = vector.shape_cast %integer_pow3A_223 : vector<4xf32> to vector<1x4xf32>
    %reduce_sum3A_225 = arith.constant dense<0.000000e+00> : vector<1xf32>
    %reduce_sum3A_226 = vector.multi_reduction <add>, %reduce_sum3A_224, %reduce_sum3A_225 [1] : vector<1x4xf32> to vector<1xf32>
    %reduce_sum3A_227 = vector.shape_cast %reduce_sum3A_226 : vector<1xf32> to vector<1x1xf32>
    %reduce_sum3A_228 = vector.extract %reduce_sum3A_227[0, 0] : f32 from vector<1x1xf32>
    %mul3A_229 = arith.constant 0.333333343 : f32
    %mul3A_230 = arith.mulf %reduce_sum3A_228, %mul3A_229 : f32
    %mul3A_231 = arith.mulf %mul3A_220, %mul3A_220 : f32
    %add3A_232 = arith.constant 1.000000e-10 : f32
    %add3A_233 = arith.addf %mul3A_231, %add3A_232 : f32
    %div3A_234 = arith.divf %mul3A_230, %add3A_233 : f32
    %add3A_235 = arith.addf %add3A_135, %div3A_234 : f32
    %reduce_max3A_236 = arith.constant dense<0xFF800000> : vector<4xf32>
    %reduce_max3A_237 = vector.multi_reduction <maximumf>, %div3A_211, %reduce_max3A_236 [1] : vector<4x4xf32> to vector<4xf32>
    %broadcast_in_dim3A_238 = vector.shape_cast %reduce_max3A_237 : vector<4xf32> to vector<4x1xf32>
    %eq3A_239 = vector.broadcast %broadcast_in_dim3A_238 : vector<4x1xf32> to vector<4x4xf32>
    %eq3A_240 = arith.cmpf oeq, %div3A_211, %eq3A_239 : vector<4x4xf32>
    %jit3A_241 = arith.constant 4 : i32
    %broadcast_in_dim3A_242 = vector.broadcast %jit3A_241 : i32 to vector<4x4xi32>
    %select_n3A_243 = arith.select %eq3A_240, %iota3A, %broadcast_in_dim3A_242 : vector<4x4xi1>, vector<4x4xi32>
    %reduce_min3A_244 = arith.constant dense<2147483647> : vector<4xi32>
    %reduce_min3A_245 = vector.multi_reduction <minsi>, %select_n3A_243, %reduce_min3A_244 [1] : vector<4x4xi32> to vector<4xi32>
    %broadcast_in_dim3A_246 = vector.shape_cast %reduce_min3A_245 : vector<4xi32> to vector<4x1xi32>
    %eq3A_247 = vector.broadcast %broadcast_in_dim3A_246 : vector<4x1xi32> to vector<4x4xi32>
    %eq3A_248 = arith.cmpi eq, %iota3A, %eq3A_247 : vector<4x4xi32>
    %jit3A_249 = arith.constant 0xFF800000 : f32
    %broadcast_in_dim3A_250 = vector.broadcast %jit3A_249 : f32 to vector<4x4xf32>
    %select_n3A_251 = arith.select %eq3A_248, %broadcast_in_dim3A_250, %div3A_211 : vector<4x4xi1>, vector<4x4xf32>
    %reduce_max3A_252 = arith.constant dense<0xFF800000> : vector<4xf32>
    %reduce_max3A_253 = vector.multi_reduction <maximumf>, %select_n3A_251, %reduce_max3A_252 [1] : vector<4x4xf32> to vector<4xf32>
    %broadcast_in_dim3A_254 = vector.shape_cast %reduce_max3A_253 : vector<4xf32> to vector<4x1xf32>
    %eq3A_255 = vector.broadcast %broadcast_in_dim3A_254 : vector<4x1xf32> to vector<4x4xf32>
    %eq3A_256 = arith.cmpf oeq, %select_n3A_251, %eq3A_255 : vector<4x4xf32>
    %jit3A_257 = arith.constant 4 : i32
    %broadcast_in_dim3A_258 = vector.broadcast %jit3A_257 : i32 to vector<4x4xi32>
    %select_n3A_259 = arith.select %eq3A_256, %iota3A, %broadcast_in_dim3A_258 : vector<4x4xi1>, vector<4x4xi32>
    %reduce_min3A_260 = arith.constant dense<2147483647> : vector<4xi32>
    %reduce_min3A_261 = vector.multi_reduction <minsi>, %select_n3A_259, %reduce_min3A_260 [1] : vector<4x4xi32> to vector<4xi32>
    %broadcast_in_dim3A_262 = vector.shape_cast %reduce_min3A_261 : vector<4xi32> to vector<4x1xi32>
    %eq3A_263 = vector.broadcast %broadcast_in_dim3A_262 : vector<4x1xi32> to vector<4x4xi32>
    %eq3A_264 = arith.cmpi eq, %iota3A, %eq3A_263 : vector<4x4xi32>
    %sub3A_265 = arith.subf %broadcast_in_dim3A_254, %broadcast_in_dim3A_238 : vector<4x1xf32>
    %exp3A_266 = math.exp %sub3A_265 : vector<4x1xf32>
    %add3A_267 = arith.constant 1.000000e+00 : f32
    %add3A_268 = vector.broadcast %add3A_267 : f32 to vector<4x1xf32>
    %add3A_269 = arith.addf %add3A_268, %exp3A_266 : vector<4x1xf32>
    %div3A_270 = arith.constant 1.000000e+00 : f32
    %div3A_271 = vector.broadcast %div3A_270 : f32 to vector<4x1xf32>
    %div3A_272 = arith.divf %div3A_271, %add3A_269 : vector<4x1xf32>
    %add3A_273 = arith.constant 1.000000e+00 : f32
    %add3A_274 = vector.broadcast %add3A_273 : f32 to vector<4x1xf32>
    %add3A_275 = arith.addf %add3A_274, %exp3A_266 : vector<4x1xf32>
    %div3A_276 = arith.divf %exp3A_266, %add3A_275 : vector<4x1xf32>
    %jit3A_277 = arith.constant 0.000000e+00 : f32
    %broadcast_in_dim3A_278 = vector.shape_cast %div3A_272 : vector<4x1xf32> to vector<4x1xf32>
    %broadcast_in_dim3A_279 = vector.broadcast %broadcast_in_dim3A_278 : vector<4x1xf32> to vector<4x4xf32>
    %broadcast_in_dim3A_280 = vector.broadcast %jit3A_277 : f32 to vector<4x4xf32>
    %select_n3A_281 = arith.select %eq3A_248, %broadcast_in_dim3A_279, %broadcast_in_dim3A_280 : vector<4x4xi1>, vector<4x4xf32>
    %jit3A_282 = arith.constant 0.000000e+00 : f32
    %broadcast_in_dim3A_283 = vector.shape_cast %div3A_276 : vector<4x1xf32> to vector<4x1xf32>
    %broadcast_in_dim3A_284 = vector.broadcast %broadcast_in_dim3A_283 : vector<4x1xf32> to vector<4x4xf32>
    %broadcast_in_dim3A_285 = vector.broadcast %jit3A_282 : f32 to vector<4x4xf32>
    %select_n3A_286 = arith.select %eq3A_264, %broadcast_in_dim3A_284, %broadcast_in_dim3A_285 : vector<4x4xi1>, vector<4x4xf32>
    %add3A_287 = arith.addf %select_n3A_281, %select_n3A_286 : vector<4x4xf32>
    %swap3A_288 = arith.constant 2 : index
    %swap3A_289 = arith.constant 0 : index
    %swap3A_290 = arith.constant 0 : index
    %swap3A_291 = vector.load %arg2[%swap3A_288, %swap3A_289, %swap3A_290] : memref<4x4x4xf32, #tpu.memory_space<vmem>>, vector<1x4x4xf32>
    %swap3A_292 = vector.shape_cast %swap3A_291 : vector<1x4x4xf32> to vector<4x4xf32>
    %swap3A_293 = vector.shape_cast %add3A_287 : vector<4x4xf32> to vector<1x4x4xf32>
    tpu.vector_store %arg2[%swap3A_288, %swap3A_289, %swap3A_290], %swap3A_293 {strides = array<i32>} : memref<4x4x4xf32, #tpu.memory_space<vmem>>, vector<1x4x4xf32>,
    %get3A_294 = arith.constant 3 : index
    %get3A_295 = arith.constant 0 : index
    %get3A_296 = arith.constant 0 : index
    %get3A_297 = vector.load %arg1[%get3A_294, %get3A_295, %get3A_296] : memref<4x192x4xf32, #tpu.memory_space<vmem>>, vector<1x192x4xf32>
    %get3A_298 = vector.shape_cast %get3A_297 : vector<1x192x4xf32> to vector<192x4xf32>
    %dot_general3A_299 = arith.constant dense<0.000000e+00> : vector<4x4xf32>
    %dot_general3A_300 = tpu.matmul %mul3A_5, %get3A_298, %dot_general3A_299 {dimension_numbers = #tpu.dot_dimension_numbers<[1], [0], [0], [1], [0, 0, 1, 1], [], []>, transpose_lhs_hint = false} : vector<4x192xf32>, vector<192x4xf32>, vector<4x4xf32> -> vector<4x4xf32>
    %reduce_max3A_301 = arith.constant dense<0xFF800000> : vector<4xf32>
    %reduce_max3A_302 = vector.multi_reduction <maximumf>, %dot_general3A_300, %reduce_max3A_301 [1] : vector<4x4xf32> to vector<4xf32>
    %broadcast_in_dim3A_303 = vector.shape_cast %reduce_max3A_302 : vector<4xf32> to vector<4x1xf32>
    %sub3A_304 = vector.broadcast %broadcast_in_dim3A_303 : vector<4x1xf32> to vector<4x4xf32>
    %sub3A_305 = arith.subf %dot_general3A_300, %sub3A_304 : vector<4x4xf32>
    %exp3A_306 = math.exp %sub3A_305 : vector<4x4xf32>
    %reduce_sum3A_307 = arith.constant dense<0.000000e+00> : vector<4xf32>
    %reduce_sum3A_308 = vector.multi_reduction <add>, %exp3A_306, %reduce_sum3A_307 [1] : vector<4x4xf32> to vector<4xf32>
    %broadcast_in_dim3A_309 = vector.shape_cast %reduce_sum3A_308 : vector<4xf32> to vector<4x1xf32>
    %div3A_310 = vector.broadcast %broadcast_in_dim3A_309 : vector<4x1xf32> to vector<4x4xf32>
    %div3A_311 = arith.divf %exp3A_306, %div3A_310 : vector<4x4xf32>
    %reduce_sum3A_312 = arith.constant dense<0.000000e+00> : vector<4xf32>
    %reduce_sum3A_313 = vector.multi_reduction <add>, %div3A_311, %reduce_sum3A_312 [0] : vector<4x4xf32> to vector<4xf32>
    %reduce_sum3A_314 = vector.shape_cast %reduce_sum3A_313 : vector<4xf32> to vector<1x4xf32>
    %reduce_sum3A_315 = arith.constant dense<0.000000e+00> : vector<1xf32>
    %reduce_sum3A_316 = vector.multi_reduction <add>, %reduce_sum3A_314, %reduce_sum3A_315 [1] : vector<1x4xf32> to vector<1xf32>
    %reduce_sum3A_317 = vector.shape_cast %reduce_sum3A_316 : vector<1xf32> to vector<1x1xf32>
    %reduce_sum3A_318 = vector.extract %reduce_sum3A_317[0, 0] : f32 from vector<1x1xf32>
    %mul3A_319 = arith.constant 2.500000e-01 : f32
    %mul3A_320 = arith.mulf %reduce_sum3A_318, %mul3A_319 : f32
    %sub3A_321 = vector.broadcast %mul3A_320 : f32 to vector<4xf32>
    %sub3A_322 = arith.subf %reduce_sum3A_313, %sub3A_321 : vector<4xf32>
    %integer_pow3A_323 = arith.mulf %sub3A_322, %sub3A_322 : vector<4xf32>
    %reduce_sum3A_324 = vector.shape_cast %integer_pow3A_323 : vector<4xf32> to vector<1x4xf32>
    %reduce_sum3A_325 = arith.constant dense<0.000000e+00> : vector<1xf32>
    %reduce_sum3A_326 = vector.multi_reduction <add>, %reduce_sum3A_324, %reduce_sum3A_325 [1] : vector<1x4xf32> to vector<1xf32>
    %reduce_sum3A_327 = vector.shape_cast %reduce_sum3A_326 : vector<1xf32> to vector<1x1xf32>
    %reduce_sum3A_328 = vector.extract %reduce_sum3A_327[0, 0] : f32 from vector<1x1xf32>
    %mul3A_329 = arith.constant 0.333333343 : f32
    %mul3A_330 = arith.mulf %reduce_sum3A_328, %mul3A_329 : f32
    %mul3A_331 = arith.mulf %mul3A_320, %mul3A_320 : f32
    %add3A_332 = arith.constant 1.000000e-10 : f32
    %add3A_333 = arith.addf %mul3A_331, %add3A_332 : f32
    %div3A_334 = arith.divf %mul3A_330, %add3A_333 : f32
    %add3A_335 = arith.addf %add3A_235, %div3A_334 : f32
    %reduce_max3A_336 = arith.constant dense<0xFF800000> : vector<4xf32>
    %reduce_max3A_337 = vector.multi_reduction <maximumf>, %div3A_311, %reduce_max3A_336 [1] : vector<4x4xf32> to vector<4xf32>
    %broadcast_in_dim3A_338 = vector.shape_cast %reduce_max3A_337 : vector<4xf32> to vector<4x1xf32>
    %eq3A_339 = vector.broadcast %broadcast_in_dim3A_338 : vector<4x1xf32> to vector<4x4xf32>
    %eq3A_340 = arith.cmpf oeq, %div3A_311, %eq3A_339 : vector<4x4xf32>
    %jit3A_341 = arith.constant 4 : i32
    %broadcast_in_dim3A_342 = vector.broadcast %jit3A_341 : i32 to vector<4x4xi32>
    %select_n3A_343 = arith.select %eq3A_340, %iota3A, %broadcast_in_dim3A_342 : vector<4x4xi1>, vector<4x4xi32>
    %reduce_min3A_344 = arith.constant dense<2147483647> : vector<4xi32>
    %reduce_min3A_345 = vector.multi_reduction <minsi>, %select_n3A_343, %reduce_min3A_344 [1] : vector<4x4xi32> to vector<4xi32>
    %broadcast_in_dim3A_346 = vector.shape_cast %reduce_min3A_345 : vector<4xi32> to vector<4x1xi32>
    %eq3A_347 = vector.broadcast %broadcast_in_dim3A_346 : vector<4x1xi32> to vector<4x4xi32>
    %eq3A_348 = arith.cmpi eq, %iota3A, %eq3A_347 : vector<4x4xi32>
    %jit3A_349 = arith.constant 0xFF800000 : f32
    %broadcast_in_dim3A_350 = vector.broadcast %jit3A_349 : f32 to vector<4x4xf32>
    %select_n3A_351 = arith.select %eq3A_348, %broadcast_in_dim3A_350, %div3A_311 : vector<4x4xi1>, vector<4x4xf32>
    %reduce_max3A_352 = arith.constant dense<0xFF800000> : vector<4xf32>
    %reduce_max3A_353 = vector.multi_reduction <maximumf>, %select_n3A_351, %reduce_max3A_352 [1] : vector<4x4xf32> to vector<4xf32>
    %broadcast_in_dim3A_354 = vector.shape_cast %reduce_max3A_353 : vector<4xf32> to vector<4x1xf32>
    %eq3A_355 = vector.broadcast %broadcast_in_dim3A_354 : vector<4x1xf32> to vector<4x4xf32>
    %eq3A_356 = arith.cmpf oeq, %select_n3A_351, %eq3A_355 : vector<4x4xf32>
    %jit3A_357 = arith.constant 4 : i32
    %broadcast_in_dim3A_358 = vector.broadcast %jit3A_357 : i32 to vector<4x4xi32>
    %select_n3A_359 = arith.select %eq3A_356, %iota3A, %broadcast_in_dim3A_358 : vector<4x4xi1>, vector<4x4xi32>
    %reduce_min3A_360 = arith.constant dense<2147483647> : vector<4xi32>
    %reduce_min3A_361 = vector.multi_reduction <minsi>, %select_n3A_359, %reduce_min3A_360 [1] : vector<4x4xi32> to vector<4xi32>
    %broadcast_in_dim3A_362 = vector.shape_cast %reduce_min3A_361 : vector<4xi32> to vector<4x1xi32>
    %eq3A_363 = vector.broadcast %broadcast_in_dim3A_362 : vector<4x1xi32> to vector<4x4xi32>
    %eq3A_364 = arith.cmpi eq, %iota3A, %eq3A_363 : vector<4x4xi32>
    %sub3A_365 = arith.subf %broadcast_in_dim3A_354, %broadcast_in_dim3A_338 : vector<4x1xf32>
    %exp3A_366 = math.exp %sub3A_365 : vector<4x1xf32>
    %add3A_367 = arith.constant 1.000000e+00 : f32
    %add3A_368 = vector.broadcast %add3A_367 : f32 to vector<4x1xf32>
    %add3A_369 = arith.addf %add3A_368, %exp3A_366 : vector<4x1xf32>
    %div3A_370 = arith.constant 1.000000e+00 : f32
    %div3A_371 = vector.broadcast %div3A_370 : f32 to vector<4x1xf32>
    %div3A_372 = arith.divf %div3A_371, %add3A_369 : vector<4x1xf32>
    %add3A_373 = arith.constant 1.000000e+00 : f32
    %add3A_374 = vector.broadcast %add3A_373 : f32 to vector<4x1xf32>
    %add3A_375 = arith.addf %add3A_374, %exp3A_366 : vector<4x1xf32>
    %div3A_376 = arith.divf %exp3A_366, %add3A_375 : vector<4x1xf32>
    %jit3A_377 = arith.constant 0.000000e+00 : f32
    %broadcast_in_dim3A_378 = vector.shape_cast %div3A_372 : vector<4x1xf32> to vector<4x1xf32>
    %broadcast_in_dim3A_379 = vector.broadcast %broadcast_in_dim3A_378 : vector<4x1xf32> to vector<4x4xf32>
    %broadcast_in_dim3A_380 = vector.broadcast %jit3A_377 : f32 to vector<4x4xf32>
    %select_n3A_381 = arith.select %eq3A_348, %broadcast_in_dim3A_379, %broadcast_in_dim3A_380 : vector<4x4xi1>, vector<4x4xf32>
    %jit3A_382 = arith.constant 0.000000e+00 : f32
    %broadcast_in_dim3A_383 = vector.shape_cast %div3A_376 : vector<4x1xf32> to vector<4x1xf32>
    %broadcast_in_dim3A_384 = vector.broadcast %broadcast_in_dim3A_383 : vector<4x1xf32> to vector<4x4xf32>
    %broadcast_in_dim3A_385 = vector.broadcast %jit3A_382 : f32 to vector<4x4xf32>
    %select_n3A_386 = arith.select %eq3A_364, %broadcast_in_dim3A_384, %broadcast_in_dim3A_385 : vector<4x4xi1>, vector<4x4xf32>
    %add3A_387 = arith.addf %select_n3A_381, %select_n3A_386 : vector<4x4xf32>
    %swap3A_388 = arith.constant 3 : index
    %swap3A_389 = arith.constant 0 : index
    %swap3A_390 = arith.constant 0 : index
    %swap3A_391 = vector.load %arg2[%swap3A_388, %swap3A_389, %swap3A_390] : memref<4x4x4xf32, #tpu.memory_space<vmem>>, vector<1x4x4xf32>
    %swap3A_392 = vector.shape_cast %swap3A_391 : vector<1x4x4xf32> to vector<4x4xf32>
    %swap3A_393 = vector.shape_cast %add3A_387 : vector<4x4xf32> to vector<1x4x4xf32>
    tpu.vector_store %arg2[%swap3A_388, %swap3A_389, %swap3A_390], %swap3A_393 {strides = array<i32>} : memref<4x4x4xf32, #tpu.memory_space<vmem>>, vector<1x4x4xf32>,
    %swap3A_394 = arith.constant 0 : index
    %swap3A_395 = arith.constant 0 : index
    %swap3A_396 = memref.load %arg3[%swap3A_394, %swap3A_395] : memref<1x1xf32, #tpu.memory_space<smem>>
    memref.store %add3A_335, %arg3[%swap3A_394, %swap3A_395] : memref<1x1xf32, #tpu.memory_space<smem>>
    return
  }
}

module attributes {stable_mosaic.version = 14 : i64} {
  func.func @_main_body(%arg0: i32, %arg1: i32, %arg2: memref<4x4x4xf32, #tpu.memory_space<smem>>, %arg3: memref<1x192x640xf32, #tpu.memory_space<vmem>>, %arg4: memref<4x384x192xf32, #tpu.memory_space<vmem>>, %arg5: memref<384x4xf32, #tpu.memory_space<vmem>>, %arg6: memref<4x384x384xf32, #tpu.memory_space<vmem>>, %arg7: memref<384x4xf32, #tpu.memory_space<vmem>>, %arg8: memref<384x4xf32, #tpu.memory_space<vmem>>, %arg9: memref<384x4xf32, #tpu.memory_space<vmem>>, %arg10: memref<4x192x384xf32, #tpu.memory_space<vmem>>, %arg11: memref<192x4xf32, #tpu.memory_space<vmem>>, %arg12: memref<4x1x192x640xf32, #tpu.memory_space<vmem>>) attributes {dimension_semantics = [#tpu.dimension_semantics<arbitrary>, #tpu.dimension_semantics<arbitrary>], iteration_bounds = array<i64: 4, 5>, scalar_prefetch = 0 : i64, scratch_operands = 0 : i64, tpu.core_type = #tpu.core_type<tc>, window_params = [{transform_indices = @transform_0, window_bounds = array<i64: 4, 4, 4>}, {transform_indices = @transform_1, window_bounds = array<i64: 1, 192, 640>}, {pipeline_mode = #tpu.pipeline_mode<synchronous>, transform_indices = @transform_2, window_bounds = array<i64: 4, 384, 192>}, {pipeline_mode = #tpu.pipeline_mode<synchronous>, transform_indices = @transform_3, window_bounds = array<i64: 384, 4>}, {pipeline_mode = #tpu.pipeline_mode<synchronous>, transform_indices = @transform_4, window_bounds = array<i64: 4, 384, 384>}, {pipeline_mode = #tpu.pipeline_mode<synchronous>, transform_indices = @transform_5, window_bounds = array<i64: 384, 4>}, {pipeline_mode = #tpu.pipeline_mode<synchronous>, transform_indices = @transform_6, window_bounds = array<i64: 384, 4>}, {pipeline_mode = #tpu.pipeline_mode<synchronous>, transform_indices = @transform_7, window_bounds = array<i64: 384, 4>}, {pipeline_mode = #tpu.pipeline_mode<synchronous>, transform_indices = @transform_8, window_bounds = array<i64: 4, 192, 384>}, {pipeline_mode = #tpu.pipeline_mode<synchronous>, transform_indices = @transform_9, window_bounds = array<i64: 192, 4>}, {transform_indices = @transform_10, window_bounds = array<i64: 4, 1, 192, 640>}]} {
    %get3A = arith.constant 0 : index
    %get3A_0 = arith.constant 0 : index
    %get3A_1 = arith.constant 0 : index
    %get3A_2 = vector.load %arg3[%get3A, %get3A_0, %get3A_1] : memref<1x192x640xf32, #tpu.memory_space<vmem>>, vector<1x192x640xf32>
    %get3A_3 = vector.shape_cast %get3A_2 : vector<1x192x640xf32> to vector<192x640xf32>
    %get3A_4 = arith.constant 0 : index
    %get3A_5 = arith.constant 0 : index
    %get3A_6 = arith.constant 0 : index
    %get3A_7 = vector.load %arg4[%get3A_4, %get3A_5, %get3A_6] : memref<4x384x192xf32, #tpu.memory_space<vmem>>, vector<1x384x192xf32>
    %get3A_8 = vector.shape_cast %get3A_7 : vector<1x384x192xf32> to vector<384x192xf32>
    %dot_general3A = arith.constant dense<0.000000e+00> : vector<384x640xf32>
    %dot_general3A_9 = tpu.matmul %get3A_8, %get3A_3, %dot_general3A {dimension_numbers = #tpu.dot_dimension_numbers<[1], [0], [0], [1], [0, 0, 1, 1], [], []>, transpose_lhs_hint = false} : vector<384x192xf32>, vector<192x640xf32>, vector<384x640xf32> -> vector<384x640xf32>
    %get3A_10 = arith.constant 0 : index
    %get3A_11 = arith.constant 0 : index
    %get3A_12 = vector.load %arg5[%get3A_10, %get3A_11] : memref<384x4xf32, #tpu.memory_space<vmem>>, vector<384x1xf32>
    %add3A = vector.broadcast %get3A_12 : vector<384x1xf32> to vector<384x640xf32>
    %add3A_13 = arith.addf %dot_general3A_9, %add3A : vector<384x640xf32>
    %get3A_14 = arith.constant 0 : index
    %get3A_15 = arith.constant 0 : index
    %get3A_16 = arith.constant 0 : index
    %get3A_17 = vector.load %arg6[%get3A_14, %get3A_15, %get3A_16] : memref<4x384x384xf32, #tpu.memory_space<vmem>>, vector<1x384x384xf32>
    %get3A_18 = vector.shape_cast %get3A_17 : vector<1x384x384xf32> to vector<384x384xf32>
    %dot_general3A_19 = arith.constant dense<0.000000e+00> : vector<384x640xf32>
    %dot_general3A_20 = tpu.matmul %get3A_18, %add3A_13, %dot_general3A_19 {dimension_numbers = #tpu.dot_dimension_numbers<[1], [0], [0], [1], [0, 0, 1, 1], [], []>, transpose_lhs_hint = false} : vector<384x384xf32>, vector<384x640xf32>, vector<384x640xf32> -> vector<384x640xf32>
    %get3A_21 = arith.constant 0 : index
    %get3A_22 = arith.constant 0 : index
    %get3A_23 = vector.load %arg8[%get3A_21, %get3A_22] : memref<384x4xf32, #tpu.memory_space<vmem>>, vector<384x1xf32>
    %mul3A = arith.constant 0.999994993 : f32
    %mul3A_24 = vector.broadcast %mul3A : f32 to vector<384x1xf32>
    %mul3A_25 = arith.mulf %get3A_23, %mul3A_24 : vector<384x1xf32>
    %mul3A_26 = vector.broadcast %mul3A_25 : vector<384x1xf32> to vector<384x640xf32>
    %mul3A_27 = arith.mulf %dot_general3A_20, %mul3A_26 : vector<384x640xf32>
    %get3A_28 = arith.constant 0 : index
    %get3A_29 = arith.constant 0 : index
    %get3A_30 = vector.load %arg7[%get3A_28, %get3A_29] : memref<384x4xf32, #tpu.memory_space<vmem>>, vector<384x1xf32>
    %get3A_31 = arith.constant 0 : index
    %get3A_32 = arith.constant 0 : index
    %get3A_33 = vector.load %arg8[%get3A_31, %get3A_32] : memref<384x4xf32, #tpu.memory_space<vmem>>, vector<384x1xf32>
    %mul3A_34 = arith.constant 0.999994993 : f32
    %mul3A_35 = vector.broadcast %mul3A_34 : f32 to vector<384x1xf32>
    %mul3A_36 = arith.mulf %get3A_33, %mul3A_35 : vector<384x1xf32>
    %mul3A_37 = arith.mulf %get3A_30, %mul3A_36 : vector<384x1xf32>
    %get3A_38 = arith.constant 0 : index
    %get3A_39 = arith.constant 0 : index
    %get3A_40 = vector.load %arg9[%get3A_38, %get3A_39] : memref<384x4xf32, #tpu.memory_space<vmem>>, vector<384x1xf32>
    %add3A_41 = arith.addf %mul3A_37, %get3A_40 : vector<384x1xf32>
    %add3A_42 = vector.broadcast %add3A_41 : vector<384x1xf32> to vector<384x640xf32>
    %add3A_43 = arith.addf %mul3A_27, %add3A_42 : vector<384x640xf32>
    %max3A = arith.constant 0.000000e+00 : f32
    %max3A_44 = vector.broadcast %max3A : f32 to vector<384x640xf32>
    %max3A_45 = arith.maximumf %add3A_43, %max3A_44 : vector<384x640xf32>
    %get3A_46 = arith.constant 0 : index
    %get3A_47 = arith.constant 0 : index
    %get3A_48 = arith.constant 0 : index
    %get3A_49 = vector.load %arg10[%get3A_46, %get3A_47, %get3A_48] : memref<4x192x384xf32, #tpu.memory_space<vmem>>, vector<1x192x384xf32>
    %get3A_50 = vector.shape_cast %get3A_49 : vector<1x192x384xf32> to vector<192x384xf32>
    %dot_general3A_51 = arith.constant dense<0.000000e+00> : vector<192x640xf32>
    %dot_general3A_52 = tpu.matmul %get3A_50, %max3A_45, %dot_general3A_51 {dimension_numbers = #tpu.dot_dimension_numbers<[1], [0], [0], [1], [0, 0, 1, 1], [], []>, transpose_lhs_hint = false} : vector<192x384xf32>, vector<384x640xf32>, vector<192x640xf32> -> vector<192x640xf32>
    %get3A_53 = arith.constant 0 : index
    %get3A_54 = arith.constant 0 : index
    %get3A_55 = vector.load %arg11[%get3A_53, %get3A_54] : memref<192x4xf32, #tpu.memory_space<vmem>>, vector<192x1xf32>
    %add3A_56 = vector.broadcast %get3A_55 : vector<192x1xf32> to vector<192x640xf32>
    %add3A_57 = arith.addf %dot_general3A_52, %add3A_56 : vector<192x640xf32>
    %get3A_58 = arith.constant 0 : index
    %get3A_59 = arith.index_cast %arg0 : i32 to index
    %get3A_60 = arith.constant 0 : index
    %get3A_61 = memref.load %arg2[%get3A_58, %get3A_59, %get3A_60] : memref<4x4x4xf32, #tpu.memory_space<smem>>
    %mul3A_62 = vector.broadcast %get3A_61 : f32 to vector<192x640xf32>
    %mul3A_63 = arith.mulf %mul3A_62, %add3A_57 : vector<192x640xf32>
    %get3A_64 = arith.constant 1 : index
    %get3A_65 = arith.index_cast %arg0 : i32 to index
    %get3A_66 = arith.constant 0 : index
    %get3A_67 = memref.load %arg2[%get3A_64, %get3A_65, %get3A_66] : memref<4x4x4xf32, #tpu.memory_space<smem>>
    %mul3A_68 = vector.broadcast %get3A_67 : f32 to vector<192x640xf32>
    %mul3A_69 = arith.mulf %mul3A_68, %add3A_57 : vector<192x640xf32>
    %get3A_70 = arith.constant 2 : index
    %get3A_71 = arith.index_cast %arg0 : i32 to index
    %get3A_72 = arith.constant 0 : index
    %get3A_73 = memref.load %arg2[%get3A_70, %get3A_71, %get3A_72] : memref<4x4x4xf32, #tpu.memory_space<smem>>
    %mul3A_74 = vector.broadcast %get3A_73 : f32 to vector<192x640xf32>
    %mul3A_75 = arith.mulf %mul3A_74, %add3A_57 : vector<192x640xf32>
    %get3A_76 = arith.constant 3 : index
    %get3A_77 = arith.index_cast %arg0 : i32 to index
    %get3A_78 = arith.constant 0 : index
    %get3A_79 = memref.load %arg2[%get3A_76, %get3A_77, %get3A_78] : memref<4x4x4xf32, #tpu.memory_space<smem>>
    %mul3A_80 = vector.broadcast %get3A_79 : f32 to vector<192x640xf32>
    %mul3A_81 = arith.mulf %mul3A_80, %add3A_57 : vector<192x640xf32>
    %get3A_82 = arith.constant 1 : index
    %get3A_83 = arith.constant 0 : index
    %get3A_84 = arith.constant 0 : index
    %get3A_85 = vector.load %arg4[%get3A_82, %get3A_83, %get3A_84] : memref<4x384x192xf32, #tpu.memory_space<vmem>>, vector<1x384x192xf32>
    %get3A_86 = vector.shape_cast %get3A_85 : vector<1x384x192xf32> to vector<384x192xf32>
    %dot_general3A_87 = arith.constant dense<0.000000e+00> : vector<384x640xf32>
    %dot_general3A_88 = tpu.matmul %get3A_86, %get3A_3, %dot_general3A_87 {dimension_numbers = #tpu.dot_dimension_numbers<[1], [0], [0], [1], [0, 0, 1, 1], [], []>, transpose_lhs_hint = false} : vector<384x192xf32>, vector<192x640xf32>, vector<384x640xf32> -> vector<384x640xf32>
    %get3A_89 = arith.constant 0 : index
    %get3A_90 = arith.constant 1 : index
    %get3A_91 = vector.load %arg5[%get3A_89, %get3A_90] : memref<384x4xf32, #tpu.memory_space<vmem>>, vector<384x1xf32>
    %add3A_92 = vector.broadcast %get3A_91 : vector<384x1xf32> to vector<384x640xf32>
    %add3A_93 = arith.addf %dot_general3A_88, %add3A_92 : vector<384x640xf32>
    %get3A_94 = arith.constant 1 : index
    %get3A_95 = arith.constant 0 : index
    %get3A_96 = arith.constant 0 : index
    %get3A_97 = vector.load %arg6[%get3A_94, %get3A_95, %get3A_96] : memref<4x384x384xf32, #tpu.memory_space<vmem>>, vector<1x384x384xf32>
    %get3A_98 = vector.shape_cast %get3A_97 : vector<1x384x384xf32> to vector<384x384xf32>
    %dot_general3A_99 = arith.constant dense<0.000000e+00> : vector<384x640xf32>
    %dot_general3A_100 = tpu.matmul %get3A_98, %add3A_93, %dot_general3A_99 {dimension_numbers = #tpu.dot_dimension_numbers<[1], [0], [0], [1], [0, 0, 1, 1], [], []>, transpose_lhs_hint = false} : vector<384x384xf32>, vector<384x640xf32>, vector<384x640xf32> -> vector<384x640xf32>
    %get3A_101 = arith.constant 0 : index
    %get3A_102 = arith.constant 1 : index
    %get3A_103 = vector.load %arg8[%get3A_101, %get3A_102] : memref<384x4xf32, #tpu.memory_space<vmem>>, vector<384x1xf32>
    %mul3A_104 = arith.constant 0.999994993 : f32
    %mul3A_105 = vector.broadcast %mul3A_104 : f32 to vector<384x1xf32>
    %mul3A_106 = arith.mulf %get3A_103, %mul3A_105 : vector<384x1xf32>
    %mul3A_107 = vector.broadcast %mul3A_106 : vector<384x1xf32> to vector<384x640xf32>
    %mul3A_108 = arith.mulf %dot_general3A_100, %mul3A_107 : vector<384x640xf32>
    %get3A_109 = arith.constant 0 : index
    %get3A_110 = arith.constant 1 : index
    %get3A_111 = vector.load %arg7[%get3A_109, %get3A_110] : memref<384x4xf32, #tpu.memory_space<vmem>>, vector<384x1xf32>
    %get3A_112 = arith.constant 0 : index
    %get3A_113 = arith.constant 1 : index
    %get3A_114 = vector.load %arg8[%get3A_112, %get3A_113] : memref<384x4xf32, #tpu.memory_space<vmem>>, vector<384x1xf32>
    %mul3A_115 = arith.constant 0.999994993 : f32
    %mul3A_116 = vector.broadcast %mul3A_115 : f32 to vector<384x1xf32>
    %mul3A_117 = arith.mulf %get3A_114, %mul3A_116 : vector<384x1xf32>
    %mul3A_118 = arith.mulf %get3A_111, %mul3A_117 : vector<384x1xf32>
    %get3A_119 = arith.constant 0 : index
    %get3A_120 = arith.constant 1 : index
    %get3A_121 = vector.load %arg9[%get3A_119, %get3A_120] : memref<384x4xf32, #tpu.memory_space<vmem>>, vector<384x1xf32>
    %add3A_122 = arith.addf %mul3A_118, %get3A_121 : vector<384x1xf32>
    %add3A_123 = vector.broadcast %add3A_122 : vector<384x1xf32> to vector<384x640xf32>
    %add3A_124 = arith.addf %mul3A_108, %add3A_123 : vector<384x640xf32>
    %max3A_125 = arith.constant 0.000000e+00 : f32
    %max3A_126 = vector.broadcast %max3A_125 : f32 to vector<384x640xf32>
    %max3A_127 = arith.maximumf %add3A_124, %max3A_126 : vector<384x640xf32>
    %get3A_128 = arith.constant 1 : index
    %get3A_129 = arith.constant 0 : index
    %get3A_130 = arith.constant 0 : index
    %get3A_131 = vector.load %arg10[%get3A_128, %get3A_129, %get3A_130] : memref<4x192x384xf32, #tpu.memory_space<vmem>>, vector<1x192x384xf32>
    %get3A_132 = vector.shape_cast %get3A_131 : vector<1x192x384xf32> to vector<192x384xf32>
    %dot_general3A_133 = arith.constant dense<0.000000e+00> : vector<192x640xf32>
    %dot_general3A_134 = tpu.matmul %get3A_132, %max3A_127, %dot_general3A_133 {dimension_numbers = #tpu.dot_dimension_numbers<[1], [0], [0], [1], [0, 0, 1, 1], [], []>, transpose_lhs_hint = false} : vector<192x384xf32>, vector<384x640xf32>, vector<192x640xf32> -> vector<192x640xf32>
    %get3A_135 = arith.constant 0 : index
    %get3A_136 = arith.constant 1 : index
    %get3A_137 = vector.load %arg11[%get3A_135, %get3A_136] : memref<192x4xf32, #tpu.memory_space<vmem>>, vector<192x1xf32>
    %add3A_138 = vector.broadcast %get3A_137 : vector<192x1xf32> to vector<192x640xf32>
    %add3A_139 = arith.addf %dot_general3A_134, %add3A_138 : vector<192x640xf32>
    %get3A_140 = arith.constant 0 : index
    %get3A_141 = arith.index_cast %arg0 : i32 to index
    %get3A_142 = arith.constant 1 : index
    %get3A_143 = memref.load %arg2[%get3A_140, %get3A_141, %get3A_142] : memref<4x4x4xf32, #tpu.memory_space<smem>>
    %mul3A_144 = vector.broadcast %get3A_143 : f32 to vector<192x640xf32>
    %mul3A_145 = arith.mulf %mul3A_144, %add3A_139 : vector<192x640xf32>
    %add3A_146 = arith.addf %mul3A_63, %mul3A_145 : vector<192x640xf32>
    %get3A_147 = arith.constant 1 : index
    %get3A_148 = arith.index_cast %arg0 : i32 to index
    %get3A_149 = arith.constant 1 : index
    %get3A_150 = memref.load %arg2[%get3A_147, %get3A_148, %get3A_149] : memref<4x4x4xf32, #tpu.memory_space<smem>>
    %mul3A_151 = vector.broadcast %get3A_150 : f32 to vector<192x640xf32>
    %mul3A_152 = arith.mulf %mul3A_151, %add3A_139 : vector<192x640xf32>
    %add3A_153 = arith.addf %mul3A_69, %mul3A_152 : vector<192x640xf32>
    %get3A_154 = arith.constant 2 : index
    %get3A_155 = arith.index_cast %arg0 : i32 to index
    %get3A_156 = arith.constant 1 : index
    %get3A_157 = memref.load %arg2[%get3A_154, %get3A_155, %get3A_156] : memref<4x4x4xf32, #tpu.memory_space<smem>>
    %mul3A_158 = vector.broadcast %get3A_157 : f32 to vector<192x640xf32>
    %mul3A_159 = arith.mulf %mul3A_158, %add3A_139 : vector<192x640xf32>
    %add3A_160 = arith.addf %mul3A_75, %mul3A_159 : vector<192x640xf32>
    %get3A_161 = arith.constant 3 : index
    %get3A_162 = arith.index_cast %arg0 : i32 to index
    %get3A_163 = arith.constant 1 : index
    %get3A_164 = memref.load %arg2[%get3A_161, %get3A_162, %get3A_163] : memref<4x4x4xf32, #tpu.memory_space<smem>>
    %mul3A_165 = vector.broadcast %get3A_164 : f32 to vector<192x640xf32>
    %mul3A_166 = arith.mulf %mul3A_165, %add3A_139 : vector<192x640xf32>
    %add3A_167 = arith.addf %mul3A_81, %mul3A_166 : vector<192x640xf32>
    %get3A_168 = arith.constant 2 : index
    %get3A_169 = arith.constant 0 : index
    %get3A_170 = arith.constant 0 : index
    %get3A_171 = vector.load %arg4[%get3A_168, %get3A_169, %get3A_170] : memref<4x384x192xf32, #tpu.memory_space<vmem>>, vector<1x384x192xf32>
    %get3A_172 = vector.shape_cast %get3A_171 : vector<1x384x192xf32> to vector<384x192xf32>
    %dot_general3A_173 = arith.constant dense<0.000000e+00> : vector<384x640xf32>
    %dot_general3A_174 = tpu.matmul %get3A_172, %get3A_3, %dot_general3A_173 {dimension_numbers = #tpu.dot_dimension_numbers<[1], [0], [0], [1], [0, 0, 1, 1], [], []>, transpose_lhs_hint = false} : vector<384x192xf32>, vector<192x640xf32>, vector<384x640xf32> -> vector<384x640xf32>
    %get3A_175 = arith.constant 0 : index
    %get3A_176 = arith.constant 2 : index
    %get3A_177 = vector.load %arg5[%get3A_175, %get3A_176] : memref<384x4xf32, #tpu.memory_space<vmem>>, vector<384x1xf32>
    %add3A_178 = vector.broadcast %get3A_177 : vector<384x1xf32> to vector<384x640xf32>
    %add3A_179 = arith.addf %dot_general3A_174, %add3A_178 : vector<384x640xf32>
    %get3A_180 = arith.constant 2 : index
    %get3A_181 = arith.constant 0 : index
    %get3A_182 = arith.constant 0 : index
    %get3A_183 = vector.load %arg6[%get3A_180, %get3A_181, %get3A_182] : memref<4x384x384xf32, #tpu.memory_space<vmem>>, vector<1x384x384xf32>
    %get3A_184 = vector.shape_cast %get3A_183 : vector<1x384x384xf32> to vector<384x384xf32>
    %dot_general3A_185 = arith.constant dense<0.000000e+00> : vector<384x640xf32>
    %dot_general3A_186 = tpu.matmul %get3A_184, %add3A_179, %dot_general3A_185 {dimension_numbers = #tpu.dot_dimension_numbers<[1], [0], [0], [1], [0, 0, 1, 1], [], []>, transpose_lhs_hint = false} : vector<384x384xf32>, vector<384x640xf32>, vector<384x640xf32> -> vector<384x640xf32>
    %get3A_187 = arith.constant 0 : index
    %get3A_188 = arith.constant 2 : index
    %get3A_189 = vector.load %arg8[%get3A_187, %get3A_188] : memref<384x4xf32, #tpu.memory_space<vmem>>, vector<384x1xf32>
    %mul3A_190 = arith.constant 0.999994993 : f32
    %mul3A_191 = vector.broadcast %mul3A_190 : f32 to vector<384x1xf32>
    %mul3A_192 = arith.mulf %get3A_189, %mul3A_191 : vector<384x1xf32>
    %mul3A_193 = vector.broadcast %mul3A_192 : vector<384x1xf32> to vector<384x640xf32>
    %mul3A_194 = arith.mulf %dot_general3A_186, %mul3A_193 : vector<384x640xf32>
    %get3A_195 = arith.constant 0 : index
    %get3A_196 = arith.constant 2 : index
    %get3A_197 = vector.load %arg7[%get3A_195, %get3A_196] : memref<384x4xf32, #tpu.memory_space<vmem>>, vector<384x1xf32>
    %get3A_198 = arith.constant 0 : index
    %get3A_199 = arith.constant 2 : index
    %get3A_200 = vector.load %arg8[%get3A_198, %get3A_199] : memref<384x4xf32, #tpu.memory_space<vmem>>, vector<384x1xf32>
    %mul3A_201 = arith.constant 0.999994993 : f32
    %mul3A_202 = vector.broadcast %mul3A_201 : f32 to vector<384x1xf32>
    %mul3A_203 = arith.mulf %get3A_200, %mul3A_202 : vector<384x1xf32>
    %mul3A_204 = arith.mulf %get3A_197, %mul3A_203 : vector<384x1xf32>
    %get3A_205 = arith.constant 0 : index
    %get3A_206 = arith.constant 2 : index
    %get3A_207 = vector.load %arg9[%get3A_205, %get3A_206] : memref<384x4xf32, #tpu.memory_space<vmem>>, vector<384x1xf32>
    %add3A_208 = arith.addf %mul3A_204, %get3A_207 : vector<384x1xf32>
    %add3A_209 = vector.broadcast %add3A_208 : vector<384x1xf32> to vector<384x640xf32>
    %add3A_210 = arith.addf %mul3A_194, %add3A_209 : vector<384x640xf32>
    %max3A_211 = arith.constant 0.000000e+00 : f32
    %max3A_212 = vector.broadcast %max3A_211 : f32 to vector<384x640xf32>
    %max3A_213 = arith.maximumf %add3A_210, %max3A_212 : vector<384x640xf32>
    %get3A_214 = arith.constant 2 : index
    %get3A_215 = arith.constant 0 : index
    %get3A_216 = arith.constant 0 : index
    %get3A_217 = vector.load %arg10[%get3A_214, %get3A_215, %get3A_216] : memref<4x192x384xf32, #tpu.memory_space<vmem>>, vector<1x192x384xf32>
    %get3A_218 = vector.shape_cast %get3A_217 : vector<1x192x384xf32> to vector<192x384xf32>
    %dot_general3A_219 = arith.constant dense<0.000000e+00> : vector<192x640xf32>
    %dot_general3A_220 = tpu.matmul %get3A_218, %max3A_213, %dot_general3A_219 {dimension_numbers = #tpu.dot_dimension_numbers<[1], [0], [0], [1], [0, 0, 1, 1], [], []>, transpose_lhs_hint = false} : vector<192x384xf32>, vector<384x640xf32>, vector<192x640xf32> -> vector<192x640xf32>
    %get3A_221 = arith.constant 0 : index
    %get3A_222 = arith.constant 2 : index
    %get3A_223 = vector.load %arg11[%get3A_221, %get3A_222] : memref<192x4xf32, #tpu.memory_space<vmem>>, vector<192x1xf32>
    %add3A_224 = vector.broadcast %get3A_223 : vector<192x1xf32> to vector<192x640xf32>
    %add3A_225 = arith.addf %dot_general3A_220, %add3A_224 : vector<192x640xf32>
    %get3A_226 = arith.constant 0 : index
    %get3A_227 = arith.index_cast %arg0 : i32 to index
    %get3A_228 = arith.constant 2 : index
    %get3A_229 = memref.load %arg2[%get3A_226, %get3A_227, %get3A_228] : memref<4x4x4xf32, #tpu.memory_space<smem>>
    %mul3A_230 = vector.broadcast %get3A_229 : f32 to vector<192x640xf32>
    %mul3A_231 = arith.mulf %mul3A_230, %add3A_225 : vector<192x640xf32>
    %add3A_232 = arith.addf %add3A_146, %mul3A_231 : vector<192x640xf32>
    %get3A_233 = arith.constant 1 : index
    %get3A_234 = arith.index_cast %arg0 : i32 to index
    %get3A_235 = arith.constant 2 : index
    %get3A_236 = memref.load %arg2[%get3A_233, %get3A_234, %get3A_235] : memref<4x4x4xf32, #tpu.memory_space<smem>>
    %mul3A_237 = vector.broadcast %get3A_236 : f32 to vector<192x640xf32>
    %mul3A_238 = arith.mulf %mul3A_237, %add3A_225 : vector<192x640xf32>
    %add3A_239 = arith.addf %add3A_153, %mul3A_238 : vector<192x640xf32>
    %get3A_240 = arith.constant 2 : index
    %get3A_241 = arith.index_cast %arg0 : i32 to index
    %get3A_242 = arith.constant 2 : index
    %get3A_243 = memref.load %arg2[%get3A_240, %get3A_241, %get3A_242] : memref<4x4x4xf32, #tpu.memory_space<smem>>
    %mul3A_244 = vector.broadcast %get3A_243 : f32 to vector<192x640xf32>
    %mul3A_245 = arith.mulf %mul3A_244, %add3A_225 : vector<192x640xf32>
    %add3A_246 = arith.addf %add3A_160, %mul3A_245 : vector<192x640xf32>
    %get3A_247 = arith.constant 3 : index
    %get3A_248 = arith.index_cast %arg0 : i32 to index
    %get3A_249 = arith.constant 2 : index
    %get3A_250 = memref.load %arg2[%get3A_247, %get3A_248, %get3A_249] : memref<4x4x4xf32, #tpu.memory_space<smem>>
    %mul3A_251 = vector.broadcast %get3A_250 : f32 to vector<192x640xf32>
    %mul3A_252 = arith.mulf %mul3A_251, %add3A_225 : vector<192x640xf32>
    %add3A_253 = arith.addf %add3A_167, %mul3A_252 : vector<192x640xf32>
    %get3A_254 = arith.constant 3 : index
    %get3A_255 = arith.constant 0 : index
    %get3A_256 = arith.constant 0 : index
    %get3A_257 = vector.load %arg4[%get3A_254, %get3A_255, %get3A_256] : memref<4x384x192xf32, #tpu.memory_space<vmem>>, vector<1x384x192xf32>
    %get3A_258 = vector.shape_cast %get3A_257 : vector<1x384x192xf32> to vector<384x192xf32>
    %dot_general3A_259 = arith.constant dense<0.000000e+00> : vector<384x640xf32>
    %dot_general3A_260 = tpu.matmul %get3A_258, %get3A_3, %dot_general3A_259 {dimension_numbers = #tpu.dot_dimension_numbers<[1], [0], [0], [1], [0, 0, 1, 1], [], []>, transpose_lhs_hint = false} : vector<384x192xf32>, vector<192x640xf32>, vector<384x640xf32> -> vector<384x640xf32>
    %get3A_261 = arith.constant 0 : index
    %get3A_262 = arith.constant 3 : index
    %get3A_263 = vector.load %arg5[%get3A_261, %get3A_262] : memref<384x4xf32, #tpu.memory_space<vmem>>, vector<384x1xf32>
    %add3A_264 = vector.broadcast %get3A_263 : vector<384x1xf32> to vector<384x640xf32>
    %add3A_265 = arith.addf %dot_general3A_260, %add3A_264 : vector<384x640xf32>
    %get3A_266 = arith.constant 3 : index
    %get3A_267 = arith.constant 0 : index
    %get3A_268 = arith.constant 0 : index
    %get3A_269 = vector.load %arg6[%get3A_266, %get3A_267, %get3A_268] : memref<4x384x384xf32, #tpu.memory_space<vmem>>, vector<1x384x384xf32>
    %get3A_270 = vector.shape_cast %get3A_269 : vector<1x384x384xf32> to vector<384x384xf32>
    %dot_general3A_271 = arith.constant dense<0.000000e+00> : vector<384x640xf32>
    %dot_general3A_272 = tpu.matmul %get3A_270, %add3A_265, %dot_general3A_271 {dimension_numbers = #tpu.dot_dimension_numbers<[1], [0], [0], [1], [0, 0, 1, 1], [], []>, transpose_lhs_hint = false} : vector<384x384xf32>, vector<384x640xf32>, vector<384x640xf32> -> vector<384x640xf32>
    %get3A_273 = arith.constant 0 : index
    %get3A_274 = arith.constant 3 : index
    %get3A_275 = vector.load %arg8[%get3A_273, %get3A_274] : memref<384x4xf32, #tpu.memory_space<vmem>>, vector<384x1xf32>
    %mul3A_276 = arith.constant 0.999994993 : f32
    %mul3A_277 = vector.broadcast %mul3A_276 : f32 to vector<384x1xf32>
    %mul3A_278 = arith.mulf %get3A_275, %mul3A_277 : vector<384x1xf32>
    %mul3A_279 = vector.broadcast %mul3A_278 : vector<384x1xf32> to vector<384x640xf32>
    %mul3A_280 = arith.mulf %dot_general3A_272, %mul3A_279 : vector<384x640xf32>
    %get3A_281 = arith.constant 0 : index
    %get3A_282 = arith.constant 3 : index
    %get3A_283 = vector.load %arg7[%get3A_281, %get3A_282] : memref<384x4xf32, #tpu.memory_space<vmem>>, vector<384x1xf32>
    %get3A_284 = arith.constant 0 : index
    %get3A_285 = arith.constant 3 : index
    %get3A_286 = vector.load %arg8[%get3A_284, %get3A_285] : memref<384x4xf32, #tpu.memory_space<vmem>>, vector<384x1xf32>
    %mul3A_287 = arith.constant 0.999994993 : f32
    %mul3A_288 = vector.broadcast %mul3A_287 : f32 to vector<384x1xf32>
    %mul3A_289 = arith.mulf %get3A_286, %mul3A_288 : vector<384x1xf32>
    %mul3A_290 = arith.mulf %get3A_283, %mul3A_289 : vector<384x1xf32>
    %get3A_291 = arith.constant 0 : index
    %get3A_292 = arith.constant 3 : index
    %get3A_293 = vector.load %arg9[%get3A_291, %get3A_292] : memref<384x4xf32, #tpu.memory_space<vmem>>, vector<384x1xf32>
    %add3A_294 = arith.addf %mul3A_290, %get3A_293 : vector<384x1xf32>
    %add3A_295 = vector.broadcast %add3A_294 : vector<384x1xf32> to vector<384x640xf32>
    %add3A_296 = arith.addf %mul3A_280, %add3A_295 : vector<384x640xf32>
    %max3A_297 = arith.constant 0.000000e+00 : f32
    %max3A_298 = vector.broadcast %max3A_297 : f32 to vector<384x640xf32>
    %max3A_299 = arith.maximumf %add3A_296, %max3A_298 : vector<384x640xf32>
    %get3A_300 = arith.constant 3 : index
    %get3A_301 = arith.constant 0 : index
    %get3A_302 = arith.constant 0 : index
    %get3A_303 = vector.load %arg10[%get3A_300, %get3A_301, %get3A_302] : memref<4x192x384xf32, #tpu.memory_space<vmem>>, vector<1x192x384xf32>
    %get3A_304 = vector.shape_cast %get3A_303 : vector<1x192x384xf32> to vector<192x384xf32>
    %dot_general3A_305 = arith.constant dense<0.000000e+00> : vector<192x640xf32>
    %dot_general3A_306 = tpu.matmul %get3A_304, %max3A_299, %dot_general3A_305 {dimension_numbers = #tpu.dot_dimension_numbers<[1], [0], [0], [1], [0, 0, 1, 1], [], []>, transpose_lhs_hint = false} : vector<192x384xf32>, vector<384x640xf32>, vector<192x640xf32> -> vector<192x640xf32>
    %get3A_307 = arith.constant 0 : index
    %get3A_308 = arith.constant 3 : index
    %get3A_309 = vector.load %arg11[%get3A_307, %get3A_308] : memref<192x4xf32, #tpu.memory_space<vmem>>, vector<192x1xf32>
    %add3A_310 = vector.broadcast %get3A_309 : vector<192x1xf32> to vector<192x640xf32>
    %add3A_311 = arith.addf %dot_general3A_306, %add3A_310 : vector<192x640xf32>
    %get3A_312 = arith.constant 0 : index
    %get3A_313 = arith.index_cast %arg0 : i32 to index
    %get3A_314 = arith.constant 3 : index
    %get3A_315 = memref.load %arg2[%get3A_312, %get3A_313, %get3A_314] : memref<4x4x4xf32, #tpu.memory_space<smem>>
    %mul3A_316 = vector.broadcast %get3A_315 : f32 to vector<192x640xf32>
    %mul3A_317 = arith.mulf %mul3A_316, %add3A_311 : vector<192x640xf32>
    %add3A_318 = arith.addf %add3A_232, %mul3A_317 : vector<192x640xf32>
    %get3A_319 = arith.constant 1 : index
    %get3A_320 = arith.index_cast %arg0 : i32 to index
    %get3A_321 = arith.constant 3 : index
    %get3A_322 = memref.load %arg2[%get3A_319, %get3A_320, %get3A_321] : memref<4x4x4xf32, #tpu.memory_space<smem>>
    %mul3A_323 = vector.broadcast %get3A_322 : f32 to vector<192x640xf32>
    %mul3A_324 = arith.mulf %mul3A_323, %add3A_311 : vector<192x640xf32>
    %add3A_325 = arith.addf %add3A_239, %mul3A_324 : vector<192x640xf32>
    %get3A_326 = arith.constant 2 : index
    %get3A_327 = arith.index_cast %arg0 : i32 to index
    %get3A_328 = arith.constant 3 : index
    %get3A_329 = memref.load %arg2[%get3A_326, %get3A_327, %get3A_328] : memref<4x4x4xf32, #tpu.memory_space<smem>>
    %mul3A_330 = vector.broadcast %get3A_329 : f32 to vector<192x640xf32>
    %mul3A_331 = arith.mulf %mul3A_330, %add3A_311 : vector<192x640xf32>
    %add3A_332 = arith.addf %add3A_246, %mul3A_331 : vector<192x640xf32>
    %get3A_333 = arith.constant 3 : index
    %get3A_334 = arith.index_cast %arg0 : i32 to index
    %get3A_335 = arith.constant 3 : index
    %get3A_336 = memref.load %arg2[%get3A_333, %get3A_334, %get3A_335] : memref<4x4x4xf32, #tpu.memory_space<smem>>
    %mul3A_337 = vector.broadcast %get3A_336 : f32 to vector<192x640xf32>
    %mul3A_338 = arith.mulf %mul3A_337, %add3A_311 : vector<192x640xf32>
    %add3A_339 = arith.addf %add3A_253, %mul3A_338 : vector<192x640xf32>
    %swap3A = arith.constant 0 : index
    %swap3A_340 = arith.constant 0 : index
    %swap3A_341 = arith.constant 0 : index
    %swap3A_342 = arith.constant 0 : index
    %swap3A_343 = vector.load %arg12[%swap3A, %swap3A_340, %swap3A_341, %swap3A_342] : memref<4x1x192x640xf32, #tpu.memory_space<vmem>>, vector<1x1x192x640xf32>
    %swap3A_344 = vector.shape_cast %swap3A_343 : vector<1x1x192x640xf32> to vector<192x640xf32>
    %swap3A_345 = vector.shape_cast %add3A_318 : vector<192x640xf32> to vector<1x1x192x640xf32>
    tpu.vector_store %arg12[%swap3A, %swap3A_340, %swap3A_341, %swap3A_342], %swap3A_345 {strides = array<i32>} : memref<4x1x192x640xf32, #tpu.memory_space<vmem>>, vector<1x1x192x640xf32>,
    %swap3A_346 = arith.constant 1 : index
    %swap3A_347 = arith.constant 0 : index
    %swap3A_348 = arith.constant 0 : index
    %swap3A_349 = arith.constant 0 : index
    %swap3A_350 = vector.load %arg12[%swap3A_346, %swap3A_347, %swap3A_348, %swap3A_349] : memref<4x1x192x640xf32, #tpu.memory_space<vmem>>, vector<1x1x192x640xf32>
    %swap3A_351 = vector.shape_cast %swap3A_350 : vector<1x1x192x640xf32> to vector<192x640xf32>
    %swap3A_352 = vector.shape_cast %add3A_325 : vector<192x640xf32> to vector<1x1x192x640xf32>
    tpu.vector_store %arg12[%swap3A_346, %swap3A_347, %swap3A_348, %swap3A_349], %swap3A_352 {strides = array<i32>} : memref<4x1x192x640xf32, #tpu.memory_space<vmem>>, vector<1x1x192x640xf32>,
    %swap3A_353 = arith.constant 2 : index
    %swap3A_354 = arith.constant 0 : index
    %swap3A_355 = arith.constant 0 : index
    %swap3A_356 = arith.constant 0 : index
    %swap3A_357 = vector.load %arg12[%swap3A_353, %swap3A_354, %swap3A_355, %swap3A_356] : memref<4x1x192x640xf32, #tpu.memory_space<vmem>>, vector<1x1x192x640xf32>
    %swap3A_358 = vector.shape_cast %swap3A_357 : vector<1x1x192x640xf32> to vector<192x640xf32>
    %swap3A_359 = vector.shape_cast %add3A_332 : vector<192x640xf32> to vector<1x1x192x640xf32>
    tpu.vector_store %arg12[%swap3A_353, %swap3A_354, %swap3A_355, %swap3A_356], %swap3A_359 {strides = array<i32>} : memref<4x1x192x640xf32, #tpu.memory_space<vmem>>, vector<1x1x192x640xf32>,
    %swap3A_360 = arith.constant 3 : index
    %swap3A_361 = arith.constant 0 : index
    %swap3A_362 = arith.constant 0 : index
    %swap3A_363 = arith.constant 0 : index
    %swap3A_364 = vector.load %arg12[%swap3A_360, %swap3A_361, %swap3A_362, %swap3A_363] : memref<4x1x192x640xf32, #tpu.memory_space<vmem>>, vector<1x1x192x640xf32>
    %swap3A_365 = vector.shape_cast %swap3A_364 : vector<1x1x192x640xf32> to vector<192x640xf32>
    %swap3A_366 = vector.shape_cast %add3A_339 : vector<192x640xf32> to vector<1x1x192x640xf32>
    tpu.vector_store %arg12[%swap3A_360, %swap3A_361, %swap3A_362, %swap3A_363], %swap3A_366 {strides = array<i32>} : memref<4x1x192x640xf32, #tpu.memory_space<vmem>>, vector<1x1x192x640xf32>,
    return
  }
  func.func @transform_0(%arg0: i32, %arg1: i32) -> (i32, i32, i32) {
    %c0_i32 = arith.constant 0 : i32
    %c0_i32_0 = arith.constant 0 : i32
    %c0_i32_1 = arith.constant 0 : i32
    %c0_i32_2 = arith.constant 0 : i32
    return %c0_i32, %c0_i32_0, %c0_i32_1 : i32, i32, i32
  }
  func.func @transform_1(%arg0: i32, %arg1: i32) -> (i32, i32, i32) {
    %c0_i32 = arith.constant 0 : i32
    %c0_i32_0 = arith.constant 0 : i32
    return %arg0, %c0_i32, %arg1 : i32, i32, i32
  }
  func.func @transform_2(%arg0: i32, %arg1: i32) -> (i32, i32, i32) {
    %c0_i32 = arith.constant 0 : i32
    %c0_i32_0 = arith.constant 0 : i32
    %c0_i32_1 = arith.constant 0 : i32
    %c0_i32_2 = arith.constant 0 : i32
    return %c0_i32, %c0_i32_0, %c0_i32_1 : i32, i32, i32
  }
  func.func @transform_3(%arg0: i32, %arg1: i32) -> (i32, i32) {
    %c0_i32 = arith.constant 0 : i32
    %c0_i32_0 = arith.constant 0 : i32
    %c0_i32_1 = arith.constant 0 : i32
    return %c0_i32, %c0_i32_0 : i32, i32
  }
  func.func @transform_4(%arg0: i32, %arg1: i32) -> (i32, i32, i32) {
    %c0_i32 = arith.constant 0 : i32
    %c0_i32_0 = arith.constant 0 : i32
    %c0_i32_1 = arith.constant 0 : i32
    %c0_i32_2 = arith.constant 0 : i32
    return %c0_i32, %c0_i32_0, %c0_i32_1 : i32, i32, i32
  }
  func.func @transform_5(%arg0: i32, %arg1: i32) -> (i32, i32) {
    %c0_i32 = arith.constant 0 : i32
    %c0_i32_0 = arith.constant 0 : i32
    %c0_i32_1 = arith.constant 0 : i32
    return %c0_i32, %c0_i32_0 : i32, i32
  }
  func.func @transform_6(%arg0: i32, %arg1: i32) -> (i32, i32) {
    %c0_i32 = arith.constant 0 : i32
    %c0_i32_0 = arith.constant 0 : i32
    %c0_i32_1 = arith.constant 0 : i32
    return %c0_i32, %c0_i32_0 : i32, i32
  }
  func.func @transform_7(%arg0: i32, %arg1: i32) -> (i32, i32) {
    %c0_i32 = arith.constant 0 : i32
    %c0_i32_0 = arith.constant 0 : i32
    %c0_i32_1 = arith.constant 0 : i32
    return %c0_i32, %c0_i32_0 : i32, i32
  }
  func.func @transform_8(%arg0: i32, %arg1: i32) -> (i32, i32, i32) {
    %c0_i32 = arith.constant 0 : i32
    %c0_i32_0 = arith.constant 0 : i32
    %c0_i32_1 = arith.constant 0 : i32
    %c0_i32_2 = arith.constant 0 : i32
    return %c0_i32, %c0_i32_0, %c0_i32_1 : i32, i32, i32
  }
  func.func @transform_9(%arg0: i32, %arg1: i32) -> (i32, i32) {
    %c0_i32 = arith.constant 0 : i32
    %c0_i32_0 = arith.constant 0 : i32
    %c0_i32_1 = arith.constant 0 : i32
    return %c0_i32, %c0_i32_0 : i32, i32
  }
  func.func @transform_10(%arg0: i32, %arg1: i32) -> (i32, i32, i32, i32) {
    %c0_i32 = arith.constant 0 : i32
    %c0_i32_0 = arith.constant 0 : i32
    %c0_i32_1 = arith.constant 0 : i32
    return %c0_i32, %arg0, %c0_i32_0, %arg1 : i32, i32, i32, i32
  }
}

</mosaic_0001>

<sc_bundles>
// kernel: sparse-core-data-format-call.cloned.1.call-start
scs
called_computation_lowered:
.L_overlay_start_0:
0x0: {  	s1 =	sld [smem:$0x3FD9]  }
0x1: {  	s2 =	sld [smem:$0x3FFE];
	_ =	sdelay $0x1  }
0x2: {  	s3 =	srdreg.scid  }
0x3: {  	s0 =	sand.u32 $0x1, s3  }
0x4: {  	s17 =	sshll.u32 s0, $0xA;
	s1 =	sadd.s32 s2, s1  }
0x5: {  	s1 =	sadd.s32 s1, s17  }
0x6: {  	[smem:$0x3FBB] =	sst s1  }
0x7: {  	_ = 	snop  }
0x8: {  	(tm) =	ssettm $0x1  }
0x9: {  	s18 =	sld [smem:$0x3FFB];
	_ =	sdelay $0x3  }
0xa: {  	_ =	strace s18  }
0xb: {  	s1 =	sld [smem:$0x3FFC];
	_ =	sdelay $0x3  }
0xc: {  	_ =	strace s1  }
0xd: {  	s1 =	sld [smem:$0x3FFD];
	_ =	sdelay $0x3  }
0xe: {  	_ =	strace s1  }
0xf: {  	_ =	strace $0x8FFFFFFF  }
0x10: {  	s19 =	sld [smem:$0x3FDB];
	_ =	sdelay $0x1  }
0x11: {  	s20 =	simm.s32 $_scs_section_size  }
0x12: {  	s4 =	simm.s32 $_size__tile_overlayer_lowered;
	s5 =	simm.s32 $_tile_overlayer_lowered  }
0x13: {  	s23 =	simm.s32 $0x1BFF;
	s22 =	sshll.u32 s5, $0x1;
	s1 =	sadd.s32 s20, s19  }
0x14: {  	s6 =	simm.s32 $0x0;
	s21 =	sshll.u32 s4, $0x1;
	s4 =	sadd.s32 s22, s1  }
0x15: {  	[timem:s6], [sflag:s23] =	dma.local [hbm:s4], s21  }
0x16: {  	_ =	swait.ge [sflag:s23], s21  }
0x17: {  	s2 =	ssub.s32 $0x0, s21;
	[sflag:s23] =	ssyncset.done $0x0  }
0x18: {  	[sflag:s23] =	ssyncadd.s32 s2;
	_ =	sdelay $0x1  }
0x19: {  	s24 =	simm.s32 $0x1B8B  }
0x1a: {  	_ =	swait.ge [sflag:s24], $0x1  }
0x1b: {  	[sflag:s24] =	ssyncset.done $0x0  }
0x1c: {  	s26 =	simm.s32 $0x1B8E;
	s25 =	sld [smem:$0x3FFE];
	[sflag:s24] =	ssyncadd.s32 $0xFFFFFFFF  }
0x1d: {  	s27 =	simm.s32 $execute0_lowered;
	[smem:$0x3FD2] =	sst s26  }
0x1e: {  	s4 =	sshll.u32 s27, $0x1;
	_ =	strace $0x80000046;
	[dreg:$0x1] =	wrdreg $0xFFFFFFFF  }
0x1f: {  	s28 =	simm.s32 $_size_execute0_lowered;
	s1 =	sadd.s32 s1, s4;
	[dreg:$0x0] =	wrdreg $0x0  }
0x20: {  	s4 =	sshll.u32 s28, $0x1;
	[dreg:$0x2] =	wrdreg s1  }
0x21: {  	[dreg:$0x3] =	wrdreg s4  }
0x22: {  	[dreg:$0x4] =	wrdreg $0xC0  }
0x23: {  	_ =	task [dreg:s6], $0x5FFFF  }
0x24: {  	[dreg:$0x1] =	wrdreg $0xFFFFFFFF  }
0x25: {  	[dreg:$0x0] =	wrdreg $0x60  }
0x26: {  	[dreg:$0x2] =	wrdreg s25  }
0x27: {  	[dreg:$0x3] =	wrdreg $0x9  }
0x28: {  	_ =	task.clear_ibuf [dreg:s6], $0x4FFFF;
	_ =	strace $0x90000046  }
0x29: {  	s29 =	simm.s32 $0x9;
	_ =	strace $0x80000048  }
0x2a: {  	_ =	swait.ge [sflag:s29], $0x1  }
0x2b: {  	[sflag:s29] =	ssyncadd.s32 $0xFFFFFFFF  }
0x2c: {  	_ =	strace $0x90000048  }
0x2d: {  	_ =	sfence  }
0x2e: {  	s30 =	sld [smem:$0x0];
	_ =	sdelay $0x2  }
0x2f: {  	s31 =	sshll.u32 s3, $0xD;
	s3 =	sshrl.u32 s3, $0x2  }
0x30: {  	s2 =	sand.u32 $0x4000, s31;
	s1 =	sadd.s32 s3, s30  }
0x31: {  	s0 =	sor.u32 s2, s0;
	s1 =	sshll.u32 s1, $0x11  }
0x32: {  	s0 =	sor.u32 s1, s0  }
0x33: {  	s0 =	sadd.s32 $0x8F2B, s0  }
0x34: {  	[sflag:s0] =	ssyncadd.remote.s32 $0x1  }
0x35: {  	_ =	sfence.sel $0xFFFF  }
0x36: {  	[dreg:$0x0] =	wrdreg $0xFFFFFFFF;
	(pc) =	sbr.abs _section_cstart, $3  }
0x37: {  	[dreg:$0x1] =	wrdreg $0xFFFFFFFF  }
0x38: {  	_ =	task.clear_ibuf [dreg:s6], $0x2FFFF;
	_ =	strace $0x9FFFFFFF  }
0x39: {  	(tm) =	ssettm $0x7FFFFFFF  }
tec
execute0_lowered:
.L_overlay_start_1:
0x0: {  	(tag) =	ssettag $0x1  }
0x1: {  	s0 =	rddreg [dreg:$0x0];
	_ =	strace $0x80000047;
	s2 =	stileid.u32  }
0x2: {  	s29 =	srdreg.scid;
	s30 =	simm.s32 $0x1;
	s31 =	simm.s32 $0x2  }
0x3: {  	s21 =	simm.s32 $0x0;
	s20 =	simm.s32 $0x0;
	s22 =	simm.s32 $0x0  }
0x4: {  	s23 =	simm.s32 $0x0;
	s11 =	simm.s32 $0x0;
	s12 =	simm.s32 $0x0  }
0x5: {  	s14 =	simm.s32 $0x0;
	s16 =	simm.s32 $0x0;
	s15 =	simm.s32 $0x0  }
0x6: {  	s13 =	simm.s32 $0x0;
	s1 =	sadd.s32 $0xC00, s0;
	s0 =	sadd.s32 $0x12CC00, s0  }
.Ltmp0:
0x7: {  	s8 =	sand.u32 $0x3, s2;
	[dreg:$0x2] =	wrdreg s1;
	(pc) =	sbr.rel .LBB1_1-.Ltmp0, $4  }
0x8: {  	[sflag:s30] =	ssyncpa.u1 $0x0;
	s9 =	sshrl.u32 s2, $0x2;
	[dreg:$0x3] =	wrdreg s0  }
0x9: {  	s0 =	sshll.u32 s29, $0x7;
	[sflag:s31] =	ssyncpa.u1 $0x0;
	[dreg:$0x4] =	wrdreg s8  }
0xa: {  	s18 =	smov.u32 s9;
	[dreg:$0x5] =	wrdreg s9;
	s10 =	sand.u32 $0x80, s0  }
0xb: {  	s19 =	smov.u32 s8;
	s17 =	smov.u32 s10;
	[dreg:$0x6] =	wrdreg s10  }
.LBB1_18:
0xc: {  	s11 =	rddreg [dreg:$0x7]  }
0xd: {  	s12 =	rddreg [dreg:$0x8]  }
0xe: {  	s4 =	rddreg [dreg:$0x15]  }
0xf: {  	s6 =	rddreg [dreg:$0x16]  }
0x10: {  	s22 =	rddreg [dreg:$0x14]  }
0x11: {  	s16 =	rddreg [dreg:$0xc]  }
0x12: {  	s14 =	rddreg [dreg:$0xa]  }
0x13: {  	s26 =	rddreg [dreg:$0x3]  }
0x14: {  	s29 =	rddreg [dreg:$0x17]  }
0x15: {  	s8 =	rddreg [dreg:$0x4]  }
0x16: {  	s9 =	rddreg [dreg:$0x5]  }
0x17: {  	s10 =	rddreg [dreg:$0x6]  }
0x18: {  	s13 =	rddreg [dreg:$0x9]  }
0x19: {  	s15 =	rddreg [dreg:$0xb]  }
0x1a: {  	s17 =	rddreg [dreg:$0xd]  }
0x1b: {  	s31 =	simm.s32 $0x800;
	s18 =	rddreg [dreg:$0xe];
	s0 =	sshll.u32 s11, $0x8  }
0x1c: {  	s1 =	sshll.u32 s12, $0x3;
	s2 =	sshll.u32 s11, $0x7;
	p0 =	sgt.s32 s12, $0x80  }
0x1d: {  	s3 =	smov.u32 s12;
	s23 =	sand.u32 $0x78, s12;
	s24 =	smul.u32 $0x62000, s16  }
0x1e: {  	s25 =	smul.u32 $0x18800, s14;
	s27 =	sand.u32 $0x7, s12;
	s0 =	sand.u32 $0xFFFFF800, s0  }
0x1f: {  	s1 =	sand.u32 $0xFFFFFC00, s1;
	s19 =	sand.u32 $0x300, s2;
	s3 =	simm.s32 @!p0 $0x80  }
0x20: {  	p0 =	sgt.s32 s11, $0xBC0;
	s2 =	sand.u32 $0x80, s2;
	s28 =	sshll.u32 s27, $0x12  }
0x21: {  	s0 =	sadd.s32 s1, s0;
	s1 =	smov.u32 s11;
	s3 =	sadd.s32 s4, s3  }
0x22: {  	s2 =	sor.u32 s23, s2;
	s30 =	sor.u32 $0x400, s28;
	s0 =	sor.u32 s19, s0  }
0x23: {  	s23 =	rddreg [dreg:$0x13];
	s1 =	simm.s32 @!p0 $0xBC0;
	s0 =	sshrl.u32 s0, $0x8  }
0x24: {  	s5 =	sadd.s32 $0xFFFFFF80, s3;
	s3 =	ssub.s32 $0x100, s3;
	s20 =	smulhi.u32 $0x14E5E0B, s0  }
0x25: {  	s2 =	sshrl.u32 s2, $0x3;
	s19 =	rddreg [dreg:$0xf];
	s1 =	sadd.s32 s6, s1  }
0x26: {  	p0 =	sgt.s32 s5, $0x7F;
	s21 =	sadd.s32 $0xFFFFF440, s1;
	s4 =	sshrl.u32 s20, $0x4  }
0x27: {  	s3 =	simm.s32 @p0 $0x0;
	s1 =	ssub.s32 $0xC40, s1;
	s4 =	smul.u32 $0xC40, s4  }
0x28: {  	p0 =	sgt.s32 s21, $0x7F;
	s3 =	smul.u32 s22, s3;
	s21 =	rddreg [dreg:$0x11]  }
0x29: {  	s1 =	simm.s32 @p0 $0x0;
	s0 =	ssub.s32 s0, s4;
	s4 =	sadd.s32 s26, s24  }
0x2a: {  	s22 =	rddreg [dreg:$0x12];
	s1 =	smul.u32 s1, s3;
	s3 =	sadd.s32 s25, s4  }
0x2b: {  	s20 =	rddreg [dreg:$0x10];
	s0 =	sshll.u32 s0, $0x5;
	s2 =	sadd.s32 s2, s3  }
0x2c: {  	s1 =	sand.u32 $0x3FFFFFFF, s1;
	s4 =	sor.u32 $0x8000, s29;
	s0 =	sadd.s32 s0, s2  }
0x2d: {  	[hbm4b:s0+s30] =	stream.strided.scatter [tilespmem:s4], [sflag:$0x2], s1, s31, s30, $0x20;
	[tilespmem:$0x10100] =	vst v63  }
.LBB1_19:
0x2e: {  	p0 =	slt.u32 s13, $0x2  }
0x2f: {  	s0 =	smov.u32 s23;
	s2 =	smov.u32 s22;
	s5 =	smov.u32 s20  }
0x30: {  	s13 =	sadd.s32 $0x1, s13;
	p1 =	sgt.s32 @!p0 s23, $0x3;
	s1 =	sshra.s32 @!p0 s23, $0x1F  }
0x31: {  	s3 =	sshra.s32 @!p0 s22, $0x1F;
	p3 =	sgt.s32 @!p0 s20, $0x80;
	p1 =	por !p1, p0  }
0x32: {  	s4 =	sshra.s32 @!p0 s20, $0x1F;
	s1 =	sand.u32 @!p0 s1, s23;
	s0 =	simm.s32 @p1 $0x3  }
0x33: {  	s4 =	sand.u32 @!p0 s4, s20;
	p1 =	sgt.s32 @!p0 s22, $0x3;
	s0 =	ssub.s32 @!p0 s0, s1  }
0x34: {  	s20 =	smov.u32 s12;
	p1 =	por !p1, p0;
	s1 =	sadd.s32 @!p0 $0xFFFFFFFD, s0  }
0x35: {  	s2 =	simm.s32 @p1 $0x3;
	p2 =	sgt.s32 @!p0 s1, $0x0;
	s1 =	sand.u32 @!p0 s3, s22  }
0x36: {  	s0 =	ssub.s32 @!p0 $0x4, s0;
	p1 =	por !p2, p0;
	s1 =	ssub.s32 @!p0 s2, s1  }
0x37: {  	s3 =	smov.u32 s21;
	s0 =	simm.s32 @!p1 $0x0;
	s2 =	sadd.s32 @!p0 $0xFFFFFFFD, s1  }
0x38: {  	p1 =	sgt.s32 @!p0 s21, $0xBC0;
	p2 =	sgt.s32 @!p0 s2, $0x0;
	s2 =	sshra.s32 @!p0 s21, $0x1F  }
0x39: {  	s1 =	ssub.s32 @!p0 $0x4, s1;
	p1 =	por !p1, p0;
	s2 =	sand.u32 @!p0 s2, s21  }
0x3a: {  	s3 =	simm.s32 @p1 $0xBC0;
	p1 =	por !p3, p0;
	p2 =	por !p2, p0  }
0x3b: {  	s5 =	simm.s32 @p1 $0x80;
	s1 =	simm.s32 @!p2 $0x0;
	s2 =	ssub.s32 @!p0 s3, s2  }
0x3c: {  	s3 =	ssub.s32 @!p0 s5, s4;
	s0 =	smul.u32 @!p0 s0, s1;
	s1 =	sadd.s32 @!p0 $0xFFFFF440, s2  }
0x3d: {  	s5 =	smov.u32 s17;
	s4 =	sadd.s32 @!p0 $0xFFFFFF80, s3;
	p1 =	sgt.s32 @!p0 s1, $0x7F  }
0x3e: {  	s1 =	ssub.s32 @!p0 $0xC40, s2;
	s2 =	ssub.s32 @!p0 $0x100, s3;
	p2 =	sgt.s32 @!p0 s4, $0x7F  }
0x3f: {  	s3 =	sadd.s32 $0x80, s15;
	s4 =	sadd.s32 $0x100, s17;
	p2 =	por !p2, p0  }
0x40: {  	p1 =	por !p1, p0;
	s2 =	simm.s32 @!p2 $0x0;
	p2 =	sgt.s32 s3, $0xC3F  }
0x41: {  	s1 =	simm.s32 @!p1 $0x0;
	s0 =	smul.u32 @!p0 s2, s0;
	s5 =	smov.u32 @p2 s4  }
0x42: {  	s2 =	sadd.s32 $0x4, s18;
	s4 =	smov.u32 s18;
	p1 =	sgt.s32 s5, $0xBF  }
0x43: {  	s3 =	simm.s32 @p2 $0x0;
	s0 =	smul.u32 @!p0 s1, s0;
	s4 =	smov.u32 @p1 s2  }
0x44: {  	s1 =	sadd.s32 $0x4, s19;
	s2 =	smov.u32 s19;
	p2 =	sgt.s32 s4, $0x3  }
0x45: {  	s23 =	smov.u32 s16;
	s12 =	smov.u32 s17;
	s2 =	smov.u32 @p2 s1  }
0x46: {  	s16 =	smov.u32 s19;
	s5 =	smov.u32 @p1 s10;
	p1 =	sgt.s32 s2, $0x3  }
0x47: {  	s22 =	smov.u32 s14;
	s2 =	smov.u32 @p1 s8;
	p1 =	sne.s32 s13, $0x1B  }
.Ltmp1:
0x48: {  	s14 =	smov.u32 s18;
	s21 =	smov.u32 s11;
	(pc) =	sbr.rel @!p1 .LBB1_20-.Ltmp1, $4  }
0x49: {  	s11 =	smov.u32 s15;
	s0 =	sand.u32 @!p0 $0x3FFFFFFF, s0;
	s1 =	simm.s32 @!p0 $0x2  }
0x4a: {  	s15 =	smov.u32 s3;
	s17 =	smov.u32 s5;
	_ =	swait.ge @!p0 [sflag:s1], s0  }
0x4b: {  	s4 =	smov.u32 @p2 s9;
	s0 =	ssub.s32 @!p0 $0x0, s0;
	[sflag:s1] =	ssyncset.done @!p0 $0x0  }
0x4c: {  	s18 =	smov.u32 s4;
	[sflag:s1] =	ssyncadd.s32 @!p0 s0;
	s19 =	smov.u32 s2  }
.LBB1_1:
0x4d: {  	p0 =	sgt.u32 s13, $0x18  }
.Ltmp2:
0x4e: {  	_ = 	snop;
	(pc) =	sbr.rel @p0 .LBB1_3-.Ltmp2, $1  }
0x4f: {  	_ =	sdelay $0x3  }
0x50: {  	s0 =	sshrl.u32 s17, $0x3  }
0x51: {  	s1 =	sshll.u32 s15, $0x3;
	s0 =	smul.u32 $0x6400, s0  }
0x52: {  	s2 =	sshll.u32 s17, $0x7;
	s1 =	sand.u32 $0xFFFFFC00, s1  }
0x53: {  	s24 =	sand.u32 $0x380, s2;
	s0 =	sadd.s32 s0, s1  }
0x54: {  	s25 =	sand.u32 $0x7F, s15;
	p0 =	sgt.s32 s19, $0x3;
	s0 =	sor.u32 s24, s0  }
0x55: {  	s3 =	smov.u32 s19;
	s4 =	sshra.s32 s19, $0x1F;
	s1 =	sor.u32 s25, s0  }
0x56: {  	s5 =	sxor.u32 $0xFFFFFFFF, s13;
	s28 =	sshra.s32 s18, $0x1F;
	s2 =	smulhi.u32 $0x51EB851F, s1  }
0x57: {  	s6 =	sshra.s32 s17, $0x1F;
	s3 =	simm.s32 @!p0 $0x3;
	s4 =	sand.u32 s4, s19  }
0x58: {  	s31 =	sshra.s32 s15, $0x1F;
	s3 =	ssub.s32 s3, s4;
	s2 =	sshrl.u32 s2, $0xA  }
0x59: {  	s26 =	sshll.u32 s5, $0xE;
	s27 =	sadd.s32 $0xFFFFFFFD, s3;
	s2 =	smul.u32 $0xC80, s2  }
0x5a: {  	s5 =	sand.u32 s28, s18;
	s6 =	sand.u32 s6, s17;
	p0 =	sgt.s32 s27, $0x0  }
0x5b: {  	s0 =	smulhi.u32 $0x51EB851F, s0;
	s1 =	ssub.s32 s1, s2;
	s2 =	ssub.s32 $0x4, s3  }
0x5c: {  	s3 =	smov.u32 s18;
	s2 =	simm.s32 @p0 $0x0;
	p0 =	sgt.s32 s18, $0x3  }
0x5d: {  	s24 =	smul.u32 $0x4B000, s19;
	s0 =	sshrl.u32 s0, $0xA;
	s3 =	simm.s32 @!p0 $0x3  }
0x5e: {  	p0 =	sgt.s32 s17, $0x40;
	s3 =	ssub.s32 s3, s5;
	s5 =	smov.u32 s17  }
0x5f: {  	s29 =	smulhi.u32 $0x1555556, s0;
	s7 =	sadd.s32 $0xFFFFFFFD, s3;
	s5 =	simm.s32 @!p0 $0x40  }
0x60: {  	s3 =	ssub.s32 $0x4, s3;
	p0 =	sgt.s32 s7, $0x0;
	s5 =	ssub.s32 s5, s6  }
0x61: {  	s6 =	smul.u32 $0xC0, s29;
	s3 =	simm.s32 @p0 $0x0;
	s30 =	sadd.s32 $0xFFFFFFC0, s5  }
0x62: {  	s2 =	smul.u32 s2, s3;
	p0 =	sgt.s32 s30, $0x7F;
	s3 =	ssub.s32 $0xC0, s5  }
0x63: {  	s5 =	smov.u32 s15;
	s3 =	simm.s32 @p0 $0x0;
	p0 =	sgt.s32 s15, $0xC00  }
0x64: {  	s25 =	smul.u32 $0x12C00, s18;
	s7 =	sand.u32 s31, s15;
	s5 =	simm.s32 @!p0 $0xC00  }
0x65: {  	s28 =	sand.u32 $0x7, s1;
	s0 =	ssub.s32 s0, s6;
	s7 =	ssub.s32 s5, s7  }
0x66: {  	s2 =	smul.u32 s3, s2;
	s3 =	sand.u32 $0x4000, s26;
	s5 =	sadd.s32 $0xFFFFF400, s7  }
0x67: {  	s26 =	rddreg [dreg:$0x2];
	s4 =	ssub.s32 $0xC80, s7;
	p0 =	sgt.s32 s5, $0x7F  }
0x68: {  	s0 =	smul.u32 $0x190, s0;
	s6 =	sadd.s32 s26, s24;
	s4 =	simm.s32 @p0 $0x0  }
0x69: {  	s1 =	sshrl.u32 s1, $0x3;
	s27 =	sadd.s32 s25, s6;
	s2 =	smul.u32 s4, s2  }
0x6a: {  	s29 =	sshll.u32 s28, $0x12;
	s31 =	simm.s32 $0x6400;
	s0 =	sadd.s32 s0, s27  }
0x6b: {  	s30 =	sor.u32 $0x400, s29;
	s0 =	sadd.s32 s1, s0;
	s2 =	sand.u32 $0x3FFFFFFF, s2  }
0x6c: {  	[tilespmem:s3], [sflag:$0x1] =	stream.strided.gather [hbm4b:s0+s30], s2, s31, s30, $0x38;
	[tilespmem:$0x10100] =	vst v63  }
.LBB1_3:
0x6d: {  	p0 =	seq.s32 s13, $0x0  }
0x6e: {  	p1 =	seq.s32 @!p0 s13, $0x1A  }
0x6f: {  	p0 =	por p0, p1  }
.Ltmp3:
0x70: {  	_ = 	snop;
	(pc) =	sbr.rel @p0 .LBB1_19-.Ltmp3, $1  }
0x71: {  	_ =	sdelay $0x3  }
0x72: {  	[dreg:$0x13] =	wrdreg s23  }
0x73: {  	[dreg:$0x12] =	wrdreg s22  }
0x74: {  	[dreg:$0x11] =	wrdreg s21  }
0x75: {  	[dreg:$0x10] =	wrdreg s20  }
0x76: {  	[dreg:$0xf] =	wrdreg s19  }
0x77: {  	[dreg:$0xe] =	wrdreg s18  }
0x78: {  	[dreg:$0xd] =	wrdreg s17  }
0x79: {  	[dreg:$0xb] =	wrdreg s15;
	p0 =	sgt.s32 s16, $0x3;
	s0 =	smov.u32 s16  }
0x7a: {  	s1 =	sshra.s32 s16, $0x1F;
	s2 =	sshra.s32 s14, $0x1F;
	s19 =	ssub.s32 $0x0, s12  }
0x7b: {  	s20 =	sshra.s32 s12, $0x1F;
	p1 =	sgt.s32 s12, $0x40;
	s4 =	smov.u32 s12  }
0x7c: {  	s23 =	ssub.s32 $0x0, s11;
	s24 =	sshra.s32 s11, $0x1F;
	s0 =	simm.s32 @!p0 $0x3  }
0x7d: {  	s1 =	sand.u32 s1, s16;
	p0 =	sgt.s32 s14, $0x3;
	s2 =	sand.u32 s2, s14  }
0x7e: {  	s4 =	simm.s32 @!p1 $0x40;
	s0 =	ssub.s32 s0, s1;
	s1 =	smov.u32 s14  }
0x7f: {  	s3 =	sadd.s32 $0xFFFFFFFD, s0;
	s1 =	simm.s32 @!p0 $0x3;
	s0 =	ssub.s32 $0x4, s0  }
0x80: {  	p0 =	sgt.s32 s3, $0x0;
	s1 =	ssub.s32 s1, s2;
	s2 =	sand.u32 s19, s20  }
0x81: {  	s3 =	smov.u32 s11;
	s5 =	sadd.s32 $0xFFFFFFFD, s1;
	s1 =	ssub.s32 $0x4, s1  }
0x82: {  	[dreg:$0x15] =	wrdreg s2;
	s2 =	sadd.s32 s2, s4;
	s0 =	simm.s32 @p0 $0x0  }
0x83: {  	p1 =	sgt.s32 s5, $0x0;
	s21 =	sadd.s32 $0xFFFFFFC0, s2;
	s2 =	ssub.s32 $0xC0, s2  }
0x84: {  	s1 =	simm.s32 @p1 $0x0;
	p0 =	sgt.s32 s21, $0x7F;
	p1 =	sgt.s32 s11, $0xC00  }
0x85: {  	s22 =	smul.u32 s0, s1;
	s0 =	sand.u32 s23, s24;
	s3 =	simm.s32 @!p1 $0xC00  }
0x86: {  	s2 =	simm.s32 @p0 $0x0;
	[dreg:$0x16] =	wrdreg s0;
	s0 =	sadd.s32 s0, s3  }
0x87: {  	[dreg:$0x7] =	wrdreg s11;
	s25 =	smul.u32 s2, s22;
	s26 =	sadd.s32 $0xFFFFF400, s0  }
0x88: {  	s0 =	ssub.s32 $0xC80, s0;
	s2 =	sadd.s32 $0x1, s16;
	p0 =	sgt.s32 s26, $0x7F  }
0x89: {  	s3 =	sadd.s32 $0x1, s14;
	s0 =	simm.s32 @p0 $0x0;
	p0 =	slt.s32 s2, $0x4  }
0x8a: {  	[dreg:$0xc] =	wrdreg s16;
	s2 =	simm.s32 @!p0 $0x4;
	p0 =	slt.s32 s3, $0x4  }
0x8b: {  	s1 =	sadd.s32 $0x80, s12;
	s2 =	ssub.s32 s2, s16;
	s3 =	simm.s32 @!p0 $0x4  }
0x8c: {  	p1 =	slt.s32 s1, $0xC0;
	s3 =	ssub.s32 s3, s14;
	p0 =	slt.s32 s2, $0x1  }
0x8d: {  	[dreg:$0xa] =	wrdreg s14;
	s1 =	simm.s32 @!p1 $0xC0;
	p1 =	slt.s32 @!p0 s3, $0x1  }
0x8e: {  	[dreg:$0x8] =	wrdreg s12;
	s29 =	ssub.s32 s1, s12;
	p1 =	por p0, p1  }
0x8f: {  	[dreg:$0x9] =	wrdreg s13;
	p2 =	slt.s32 @!p1 s29, $0x1  }
0x90: {  	[dreg:$0x14] =	wrdreg s22;
	s0 =	smul.u32 s0, s25;
	p1 =	por p1, p2  }
.Ltmp4:
0x91: {  	s28 =	simm.s32 $0x1;
	[dreg:$0x18] =	wrdreg s2;
	(pc) =	sbr.rel @p1 .LBB1_18-.Ltmp4, $4  }
0x92: {  	s27 =	sand.u32 $0x3FFFFFFF, s0;
	s0 =	sand.u32 $0x1, s13;
	[dreg:$0x19] =	wrdreg s3  }
0x93: {  	s31 =	smul.u32 $0x4080, s0;
	_ =	swait.ge [sflag:s28], s27  }
0x94: {  	s30 =	ssub.s32 $0x0, s27;
	[sflag:s28] =	ssyncset.done $0x0  }
0x95: {  	[dreg:$0x17] =	wrdreg s31;
	[sflag:s28] =	ssyncadd.s32 s30  }
0x96: {  	s2 =	rddreg [dreg:$0x7]  }
0x97: {  	s1 =	sadd.s32 $0x80, s2  }
0x98: {  	p1 =	slt.s32 s1, $0xC40  }
0x99: {  	s1 =	simm.s32 @!p1 $0xC40  }
.Ltmp5:
0x9a: {  	s1 =	ssub.s32 s1, s2;
	(pc) =	sbr.rel .LBB1_6-.Ltmp5, $4  }
0x9b: {  	s0 =	sshll.u32 @!p0 s0, $0xE;
	s2 =	sadd.s32 $0xF, s1  }
0x9c: {  	s9 =	simm.s32 $0x0;
	s1 =	rddreg [dreg:$0x17];
	s30 =	sand.u32 $0xFFFFFFF0, s2  }
0x9d: {  	s31 =	sand.u32 @!p0 $0xFFFFFF00, s2;
	s3 =	sshll.u32 s2, $0x3;
	s1 =	sor.u32 @!p0 $0x8000, s1  }
0x9e: {  	p0 =	slt.s32 s2, $0x100;
	s8 =	sand.u32 $0xFFFFF800, s3;
	p1 =	sge.s32 s31, s30  }
.LBB1_17:
0x9f: {  	s9 =	sadd.s32 $0x1, s9;
	s2 =	rddreg [dreg:$0x18]  }
0xa0: {  	p2 =	sne.s32 s9, s2  }
.Ltmp6:
0xa1: {  	_ = 	snop;
	(pc) =	sbr.rel @!p2 .LBB1_18-.Ltmp6, $1  }
0xa2: {  	_ =	sdelay $0x3  }
.LBB1_6:
.Ltmp7:
0xa3: {  	(pc) =	sbr.rel .LBB1_7-.Ltmp7, $2  }
0xa4: {  	_ =	sdelay $0x2  }
0xa5: {  	s2 =	simm.s32 $0x0  }
.LBB1_16:
0xa6: {  	s2 =	sadd.s32 $0x1, s2;
	s3 =	rddreg [dreg:$0x19]  }
0xa7: {  	p2 =	sne.s32 s2, s3  }
.Ltmp8:
0xa8: {  	_ = 	snop;
	(pc) =	sbr.rel @!p2 .LBB1_17-.Ltmp8, $1  }
0xa9: {  	_ =	sdelay $0x3  }
.LBB1_7:
.Ltmp9:
0xaa: {  	s3 =	sadd.s32 s9, s2;
	(pc) =	sbr.rel .LBB1_8-.Ltmp9, $4  }
0xab: {  	s5 =	smul.u32 $0x10200, s3  }
0xac: {  	s4 =	sshll.u32 s3, $0x10  }
0xad: {  	s6 =	simm.s32 $0x400;
	s27 =	sshra.s32 s4, $0x2;
	s28 =	sshra.s32 s5, $0x2  }
0xae: {  	s4 =	simm.s32 $0x0;
	s3 =	sadd.s32 s27, s0;
	s5 =	sadd.s32 s28, s1  }
.LBB1_15:
0xaf: {  	s4 =	sadd.s32 $0x1, s4  }
0xb0: {  	p2 =	sne.s32 s4, s29  }
.Ltmp10:
0xb1: {  	_ = 	snop;
	(pc) =	sbr.rel @!p2 .LBB1_16-.Ltmp10, $2  }
0xb2: {  	_ =	sdelay $0x2  }
0xb3: {  	s6 =	sadd.s32 $0x80, s6  }
.LBB1_8:
.Ltmp11:
0xb4: {  	(pc) =	sbr.rel @p0 .LBB1_12-.Ltmp11, $2  }
0xb5: {  	_ =	sdelay $0x2  }
0xb6: {  	s7 =	sshll.u32 s4, $0x7;
	s26 =	sand.u32 $0x7F, s4  }
0xb7: {  	s12 =	sshll.u32 s4, $0x3;
	s15 =	sand.u32 $0x380, s7  }
0xb8: {  	s10 =	sshrl.u32 s12, $0x7;
	s11 =	sadd.s32 $0x800, s12;
	s17 =	sadd.s32 $0x1000, s12  }
0xb9: {  	s24 =	sadd.s32 $0x1800, s12;
	s28 =	sadd.s32 $0x2800, s12;
	s18 =	sadd.s32 $0x3000, s12  }
0xba: {  	s12 =	sadd.s32 $0x3800, s12;
	s13 =	sand.u32 $0x78, s10;
	s11 =	sshrl.u32 s11, $0x7  }
0xbb: {  	s23 =	sshrl.u32 s17, $0x7;
	s17 =	sshrl.u32 s24, $0x7;
	s21 =	sshrl.u32 s18, $0x7  }
0xbc: {  	s12 =	sshrl.u32 s12, $0x7;
	s14 =	smul.u32 $0x204, s13;
	s11 =	sand.u32 $0x78, s11  }
0xbd: {  	s18 =	sadd.s32 $0x30, s10;
	s13 =	sxor.u32 $0x40, s13;
	s16 =	smul.u32 $0x204, s11  }
0xbe: {  	s25 =	sand.u32 $0x78, s17;
	s12 =	sand.u32 $0x78, s12;
	s13 =	smul.u32 $0x204, s13  }
0xbf: {  	s11 =	sadd.s32 s15, s3;
	s15 =	sand.u32 $0x78, s23;
	s12 =	smul.u32 $0x204, s12  }
0xc0: {  	s17 =	sshrl.u32 s28, $0x7;
	s14 =	sshrl.u32 s14, $0x2;
	s15 =	smul.u32 $0x204, s15  }
0xc1: {  	v0 =	vmov s11;
	s11 =	sand.u32 $0x3C00, s6;
	s14 =	sadd.s32 s14, s5;
	s16 =	sshrl.u32 s16, $0x2  }
0xc2: {  	s13 =	sshrl.u32 s13, $0x2;
	s12 =	sshrl.u32 s12, $0x2;
	s15 =	sshrl.u32 s15, $0x2  }
0xc3: {  	s16 =	sadd.s32 s16, s5;
	s23 =	sadd.s32 s26, s14;
	s15 =	sadd.s32 s15, s5  }
0xc4: {  	s14 =	smul.u32 $0x204, s25;
	s25 =	sadd.s32 s26, s15;
	s15 =	sand.u32 $0x78, s17  }
0xc5: {  	s13 =	sadd.s32 s13, s5;
	s12 =	sadd.s32 s12, s5;
	s15 =	smul.u32 $0x204, s15  }
0xc6: {  	s24 =	sadd.s32 s26, s16;
	s19 =	sadd.s32 s26, s13;
	s14 =	sshrl.u32 s14, $0x2  }
0xc7: {  	s13 =	sand.u32 $0x78, s21;
	s14 =	sadd.s32 s14, s5;
	s22 =	sshrl.u32 s15, $0x2  }
0xc8: {  	s16 =	sadd.s32 $0x10, s10;
	s20 =	sadd.s32 s26, s14;
	s14 =	sadd.s32 s22, s5  }
0xc9: {  	s28 =	smul.u32 $0x204, s13;
	s13 =	sadd.s32 s26, s14;
	s14 =	sand.u32 $0x78, s16  }
0xca: {  	s21 =	sadd.s32 s26, s12;
	s17 =	sadd.s32 $0x20, s10;
	s14 =	smul.u32 $0x204, s14  }
0xcb: {  	s15 =	sshrl.u32 s28, $0x2;
	s22 =	sadd.s32 $0x50, s10;
	s16 =	sand.u32 $0x78, s17  }
0xcc: {  	s17 =	sand.u32 $0x78, s22;
	s16 =	smul.u32 $0x204, s16;
	s14 =	sshrl.u32 s14, $0x2  }
0xcd: {  	v1 =	vld.idx.msk [tilespmem:v0+s11+$0x0 ss:$0x1], $0xffff;
	s12 =	sadd.s32 s14, s5;
	s14 =	sand.u32 $0x78, s18;
	s18 =	sadd.s32 $0x60, s10  }
0xce: {  	s27 =	smul.u32 $0x204, s17;
	s16 =	sshrl.u32 s16, $0x2;
	s28 =	sand.u32 $0x78, s18  }
0xcf: {  	s16 =	sadd.s32 s16, s5;
	s18 =	smul.u32 $0x204, s28  }
0xd0: {  	s17 =	sadd.s32 s26, s12;
	s22 =	sadd.s32 s26, s16;
	s16 =	sshrl.u32 s27, $0x2  }
0xd1: {  	s12 =	sadd.s32 s16, s5;
	s28 =	sadd.s32 $0xFFFFFC00, s6;
	s18 =	sshrl.u32 s18, $0x2  }
0xd2: {  	[tilespmem:s23+$0x0 ss:$0x81] =	vst.msk $0xffff, v1;
	v1 =	vld.idx.msk [tilespmem:v0+s11+$0x20 ss:$0x1], $0xffff;
	s16 =	sadd.s32 s18, s5;
	s18 =	sadd.s32 s26, s12;
	s12 =	sand.u32 $0x3C00, s28  }
0xd3: {  	v2 =	vld.idx.msk [tilespmem:v0+s12+$0x70 ss:$0x1], $0xffff  }
0xd4: {  	v3 =	vld.idx.msk [tilespmem:v0+s12+$0x0 ss:$0x1], $0xffff  }
0xd5: {  	v4 =	vld.idx.msk [tilespmem:v0+s12+$0x10 ss:$0x1], $0xffff  }
0xd6: {  	v5 =	vld.idx.msk [tilespmem:v0+s12+$0x20 ss:$0x1], $0xffff  }
0xd7: {  	v6 =	vld.idx.msk [tilespmem:v0+s12+$0x30 ss:$0x1], $0xffff  }
0xd8: {  	s10 =	sadd.s32 $0x70, s10;
	v7 =	vld.idx.msk [tilespmem:v0+s12+$0x40 ss:$0x1], $0xffff;
	[tilespmem:s21+$0x0 ss:$0x81] =	vst.msk $0xffff, v2  }
0xd9: {  	s14 =	smul.u32 $0x204, s14;
	s10 =	sand.u32 $0x78, s10;
	v8 =	vld.idx.msk [tilespmem:v0+s12+$0x50 ss:$0x1], $0xffff;
	[tilespmem:s23+$0x0 ss:$0x81] =	vst.msk $0xffff, v3  }
0xda: {  	p2 =	sgt.s32 s31, $0x100;
	s10 =	smul.u32 $0x204, s10;
	v9 =	vld.idx.msk [tilespmem:v0+s12+$0x60 ss:$0x1], $0xffff;
	[tilespmem:s24+$0x0 ss:$0x81] =	vst.msk $0xffff, v4  }
.Ltmp12:
0xdb: {  	v4 =	vld.idx.msk [tilespmem:v0+s11+$0x10 ss:$0x1], $0xffff;
	[tilespmem:s25+$0x0 ss:$0x81] =	vst.msk $0xffff, v5;
	(pc) =	sbr.rel @!p2 .LBB1_11-.Ltmp12, $4  }
0xdc: {  	s15 =	sadd.s32 s15, s5;
	s14 =	sshrl.u32 s14, $0x2;
	[tilespmem:s20+$0x0 ss:$0x81] =	vst.msk $0xffff, v6;
	v2 =	vld.idx.msk [tilespmem:v0+s11+$0x30 ss:$0x1], $0xffff  }
0xdd: {  	s15 =	sadd.s32 s26, s15;
	s14 =	sadd.s32 s14, s5;
	s10 =	sshrl.u32 s10, $0x2;
	[tilespmem:s19+$0x0 ss:$0x81] =	vst.msk $0xffff, v7;
	v3 =	vld.idx.msk [tilespmem:v0+s11+$0x40 ss:$0x1], $0xffff  }
0xde: {  	s14 =	sadd.s32 s26, s14;
	s27 =	sadd.s32 s10, s5;
	s10 =	sadd.s32 s26, s16;
	[tilespmem:s13+$0x0 ss:$0x81] =	vst.msk $0xffff, v8;
	v5 =	vld.idx.msk [tilespmem:v0+s11+$0x50 ss:$0x1], $0xffff  }
0xdf: {  	s16 =	sadd.s32 s26, s27;
	s12 =	simm.s32 $0x100;
	s27 =	sadd.s32 $0x800, s6;
	[tilespmem:s15+$0x0 ss:$0x81] =	vst.msk $0xffff, v9;
	v6 =	vld.idx.msk [tilespmem:v0+s11+$0x60 ss:$0x1], $0xffff  }
.LBB1_10:
0xe0: {  	s28 =	sadd.s32 $0xFFFFFC00, s27;
	s12 =	sadd.s32 $0x100, s12;
	[tilespmem:s17+$0x0 ss:$0x81] =	vst.msk $0xffff, v4;
	v4 =	vld.idx.msk [tilespmem:v0+s11+$0x70 ss:$0x1], $0xffff;
	s11 =	sand.u32 $0x3C00, s27  }
0xe1: {  	s28 =	sand.u32 $0x3C00, s28;
	v7 =	vld.idx.msk [tilespmem:v0+s11+$0x0 ss:$0x1], $0xffff;
	p2 =	slt.s32 s12, s31;
	[tilespmem:s22+$0x0 ss:$0x81] =	vst.msk $0xffff, v1  }
0xe2: {  	v1 =	vld.idx.msk [tilespmem:v0+s28+$0x70 ss:$0x1], $0xffff;
	[tilespmem:s14+$0x0 ss:$0x81] =	vst.msk $0xffff, v2  }
0xe3: {  	v2 =	vld.idx.msk [tilespmem:v0+s28+$0x0 ss:$0x1], $0xffff;
	[tilespmem:s19+$0x0 ss:$0x81] =	vst.msk $0xffff, v3  }
0xe4: {  	v3 =	vld.idx.msk [tilespmem:v0+s28+$0x10 ss:$0x1], $0xffff;
	[tilespmem:s18+$0x0 ss:$0x81] =	vst.msk $0xffff, v5  }
0xe5: {  	v5 =	vld.idx.msk [tilespmem:v0+s28+$0x20 ss:$0x1], $0xffff;
	[tilespmem:s10+$0x0 ss:$0x81] =	vst.msk $0xffff, v6  }
0xe6: {  	v6 =	vld.idx.msk [tilespmem:v0+s28+$0x30 ss:$0x1], $0xffff;
	[tilespmem:s16+$0x0 ss:$0x81] =	vst.msk $0xffff, v4  }
0xe7: {  	v8 =	vld.idx.msk [tilespmem:v0+s28+$0x40 ss:$0x1], $0xffff;
	[tilespmem:s23+$0x0 ss:$0x81] =	vst.msk $0xffff, v7  }
0xe8: {  	v7 =	vld.idx.msk [tilespmem:v0+s28+$0x50 ss:$0x1], $0xffff;
	[tilespmem:s21+$0x0 ss:$0x81] =	vst.msk $0xffff, v1  }
0xe9: {  	[tilespmem:s23+$0x0 ss:$0x81] =	vst.msk $0xffff, v2;
	v9 =	vld.idx.msk [tilespmem:v0+s28+$0x60 ss:$0x1], $0xffff  }
0xea: {  	[tilespmem:s24+$0x0 ss:$0x81] =	vst.msk $0xffff, v3;
	v4 =	vld.idx.msk [tilespmem:v0+s11+$0x10 ss:$0x1], $0xffff  }
.Ltmp13:
0xeb: {  	[tilespmem:s25+$0x0 ss:$0x81] =	vst.msk $0xffff, v5;
	v1 =	vld.idx.msk [tilespmem:v0+s11+$0x20 ss:$0x1], $0xffff;
	(pc) =	sbr.rel @p2 .LBB1_10-.Ltmp13, $4  }
0xec: {  	[tilespmem:s20+$0x0 ss:$0x81] =	vst.msk $0xffff, v6;
	v2 =	vld.idx.msk [tilespmem:v0+s11+$0x30 ss:$0x1], $0xffff  }
0xed: {  	[tilespmem:s19+$0x0 ss:$0x81] =	vst.msk $0xffff, v8;
	v3 =	vld.idx.msk [tilespmem:v0+s11+$0x40 ss:$0x1], $0xffff  }
0xee: {  	[tilespmem:s13+$0x0 ss:$0x81] =	vst.msk $0xffff, v7;
	v5 =	vld.idx.msk [tilespmem:v0+s11+$0x50 ss:$0x1], $0xffff  }
0xef: {  	s27 =	sadd.s32 $0x800, s27;
	[tilespmem:s15+$0x0 ss:$0x81] =	vst.msk $0xffff, v9;
	v6 =	vld.idx.msk [tilespmem:v0+s11+$0x60 ss:$0x1], $0xffff  }
.LBB1_11:
0xf0: {  	_ =	sdelay $0x2  }
0xf1: {  	[tilespmem:s17+$0x0 ss:$0x81] =	vst.msk $0xffff, v4  }
0xf2: {  	v0 =	vld.idx.msk [tilespmem:v0+s11+$0x70 ss:$0x1], $0xffff;
	[tilespmem:s22+$0x0 ss:$0x81] =	vst.msk $0xffff, v1  }
0xf3: {  	[tilespmem:s14+$0x0 ss:$0x81] =	vst.msk $0xffff, v2  }
0xf4: {  	[tilespmem:s19+$0x0 ss:$0x81] =	vst.msk $0xffff, v3  }
0xf5: {  	[tilespmem:s18+$0x0 ss:$0x81] =	vst.msk $0xffff, v5  }
0xf6: {  	[tilespmem:s10+$0x0 ss:$0x81] =	vst.msk $0xffff, v6  }
0xf7: {  	[tilespmem:s16+$0x0 ss:$0x81] =	vst.msk $0xffff, v0  }
.LBB1_12:
.Ltmp14:
0xf8: {  	(pc) =	sbr.rel @p1 .LBB1_15-.Ltmp14, $1  }
0xf9: {  	_ =	sdelay $0x3  }
0xfa: {  	s11 =	sand.u32 $0x380, s7;
	s10 =	sshrl.u32 s4, $0x4;
	s12 =	sadd.s32 s26, s5  }
0xfb: {  	s13 =	smov.u32 s8;
	s14 =	smov.u32 s31;
	s11 =	sadd.s32 s11, s3  }
.LBB1_14:
0xfc: {  	s15 =	sand.u32 $0x3C00, s13  }
0xfd: {  	s15 =	sadd.s32 s7, s15  }
0xfe: {  	s15 =	sand.u32 $0x3C00, s15  }
0xff: {  	s16 =	sand.u32 $0x70, s14;
	s27 =	sadd.s32 s14, s10;
	s15 =	sadd.s32 s15, s11  }
0x100: {  	s14 =	sadd.s32 $0x10, s14;
	s28 =	sand.u32 $0x78, s27;
	s15 =	sadd.s32 s16, s15  }
0x101: {  	p2 =	slt.s32 s14, s30;
	v0 =	vld [tilespmem:s15+$0x0];
	s15 =	smul.u32 $0x204, s28  }
.Ltmp15:
0x102: {  	_ = 	snop;
	(pc) =	sbr.rel @p2 .LBB1_14-.Ltmp15, $4  }
0x103: {  	_ = 	snop  }
0x104: {  	s15 =	sshrl.u32 s15, $0x2  }
0x105: {  	s15 =	sadd.s32 s15, s12  }
0x106: {  	s13 =	sadd.s32 $0x80, s13;
	[tilespmem:s15+$0x0 ss:$0x81] =	vst.msk $0xffff, v0  }
.Ltmp16:
0x107: {  	_ = 	snop;
	(pc) =	sbr.rel .LBB1_15-.Ltmp16, $1  }
0x108: {  	_ =	sdelay $0x3  }
.LBB1_20:
0x109: {  	_ =	sfence.sel $0x180000  }
0x10a: {  	s0 =	simm.s32 $0x1;
	[bflag:$0x0] =	sbarrier.arrive $0xFFFF  }
0x10b: {  	s30 =	simm.s32 $0x2;
	[sflag:s0] =	ssyncpa.u1 $0x1  }
0x10c: {  	[sflag:s30] =	ssyncpa.u1 $0x1  }
0x10d: {  	_ =	strace $0x90000047  }
0x10e: {  	s31 =	stileid.u32;
	[bflag:$0x2] =	sbarrier.arrive $0xFFFF  }
0x10f: {  	p0 =	sne.s32 s31, $0x0;
	s0 =	rddreg [dreg:$0x1]  }
0x110: {  	s0 =	sadd.s32 @!p0 $0x100000, s0  }
0x111: {  	[sflag:s0] =	ssyncadd.tile.s32 @!p0 $0x1;
	_ =	shalt  }
.Lfunc_end1:
_tile_overlayer_lowered:
.L_overlay_start_2:
0x112: {  	(tag) =	ssettag $0x2  }
0x113: {  	s0 =	rddreg [dreg:$0x0];
	s2 =	stileid.u32  }
0x114: {  	s1 =	rddreg [dreg:$0x1];
	p0 =	sne.s32 s2, $0x0  }
0x115: {  	s3 =	rddreg [dreg:$0x2];
	[bflag:$0x3] =	sbarrier.arrive $0xFFFF;
	s2 =	simm.s32 @!p0 $0x1C01  }
0x116: {  	[timem:s3], [sflag:s2] =	dma.local @!p0 [hbm:s0], s1  }
0x117: {  	s0 =	simm.s32 @!p0 $0x1  }
0x118: {  	_ =	swait.ge @!p0 [sflag:s0], s1  }
0x119: {  	s1 =	ssub.s32 @!p0 $0x0, s1;
	[sflag:s0] =	ssyncset.done @!p0 $0x0  }
0x11a: {  	[sflag:s0] =	ssyncadd.s32 @!p0 s1  }
0x11b: {  	[bflag:$0x3] =	sbarrier.arrive $0xFFFF  }
0x11c: {  	_ =	shalt  }

</sc_bundles>
